<compile_context>
chip_gen: v7x
topology: tpu7x:2x2x1
jax: 0.10.2.dev20260603
libtpu: 0.0.44.dev20260713+nightly
codegen_flags: <defaults>
</compile_context>

<pallas_src>
import functools

import jax
import jax.numpy as jnp
from jax import lax
from jax.experimental import pallas as pl
from jax.experimental.pallas import tpu as pltpu
from jax.experimental.pallas import tpu_sc as plsc

NC = 2
NS = 16
NW = NC * NS

B = 16384
S = 50
D = 128
ROWS = B * S
CHUNK = 128
K = 2
NB = 2 * K
PER_W = ROWS // NW
N_CHUNKS = PER_W // CHUNK
N_GROUPS = N_CHUNKS // NB
assert N_CHUNKS % NB == 0 and N_GROUPS >= 3

_mesh = plsc.VectorSubcoreMesh(
    core_axis_name="c", subcore_axis_name="s", num_cores=NC, num_subcores=NS
)


@functools.partial(
    pl.kernel,
    out_type=jax.ShapeDtypeStruct((ROWS, D), jnp.float32),
    mesh=_mesh,
    scratch_types=[
        pltpu.VMEM((N_CHUNKS, CHUNK), jnp.int32),
        [pltpu.VMEM((CHUNK, D), jnp.float32) for _ in range(NB)],
        [pltpu.SemaphoreType.DMA for _ in range(NB)],
        [pltpu.SemaphoreType.DMA for _ in range(NB)],
    ],
)
def _sc_gather(idx_hbm, table_hbm, out_hbm, idx_v, rows, gsems, wsems):
    wid = lax.axis_index("s") * NC + lax.axis_index("c")
    chunk0 = wid * N_CHUNKS
    row0 = chunk0 * CHUNK

    pltpu.sync_copy(idx_hbm.at[pl.ds(chunk0, N_CHUNKS)], idx_v)

    def g_fire(j, b):
        pltpu.async_copy(table_hbm.at[idx_v.at[j]], rows[b], gsems[b])

    def g_wait(b):
        pltpu.make_async_copy(table_hbm.at[idx_v.at[0]], rows[b], gsems[b]).wait()

    def w_fire(j, b):
        pltpu.async_copy(rows[b], out_hbm.at[pl.ds(row0 + j * CHUNK, CHUNK)],
                         wsems[b])

    def w_wait(b):
        pltpu.make_async_copy(rows[b], out_hbm.at[pl.ds(row0, CHUNK)],
                              wsems[b]).wait()

    for b in range(K):
        g_fire(b, b)

    for b in range(NB):
        if b >= K:
            w_wait((b - K) % NB)
        g_fire(b + K, (b + K) % NB)
        g_wait(b)
        w_fire(b, b)

    def group(g, carry):
        for b in range(NB):
            s = g * NB + b
            w_wait((b - K) % NB)
            g_fire(s + K, (b + K) % NB)
            g_wait(b)
            w_fire(s, b)
        return carry

    lax.fori_loop(1, N_GROUPS - 1, group, 0, unroll=False)

    s0 = (N_GROUPS - 1) * NB
    for b in range(NB):
        w_wait((b - K) % NB)
        if b < K:
            g_fire(s0 + b + K, (b + K) % NB)
        g_wait(b)
        w_fire(s0 + b, b)
    for b in range(K, NB):
        w_wait(b)


def kernel(inputs, embeddings):
    idx = inputs.T.astype(jnp.int32).reshape(ROWS // CHUNK, CHUNK)
    out = _sc_gather(idx, embeddings)
    return out.reshape(S, B, D).transpose(1, 0, 2)

# --- scband reference (transcript-rebuilt; emitter-appended) ---
"""Pipeline reference for scband-embedding-7464653161108 (READ-ONLY COPY).

The authoritative reference and input builder live on the scoring server;
editing this copy changes nothing except your own understanding.
"""

import jax, jax.numpy as jnp
import numpy as np

NUM_EMBEDDINGS = 100000
EMBEDDING_SIZE = 128

def setup_inputs(seed: int = 0) -> dict:
    key = jax.random.key(seed)
    k1, k2 = jax.random.split(key)
    inputs = jax.random.randint(k1, (16384, 50), 0, NUM_EMBEDDINGS, dtype=jnp.int64 if jax.config.jax_enable_x64 else jnp.int32)
    embeddings = jax.random.truncated_normal(k2, -2.0, 2.0, (NUM_EMBEDDINGS, EMBEDDING_SIZE), dtype=jnp.float32) * (1.0 / np.sqrt(EMBEDDING_SIZE))
    return {"inputs": inputs, "embeddings": embeddings}

def reference(inputs, embeddings):
    # Faithful to tf.gather(embeddings, inputs); dropout disabled (drop_rate=0.0,
    # and inference mode anyway), so forward is a pure embedding gather.
    output = jnp.take(embeddings, inputs, axis=0)
    return output

if __name__ == "__main__":
    import jax
    _d = setup_inputs()
    print(jax.jit(kernel)(*tuple(_d.values())))

</pallas_src>

<mosaic_0001>
#map = affine_map<(d0, d1) -> (0, 0)>
module attributes {stable_mosaic.version = 14 : i64} {
  func.func @_sc_gather(%arg0: i32, %arg1: i32, %arg2: memref<6400x128xi32, #tpu.memory_space<hbm>>, %arg3: memref<100000x128xf32, #tpu.memory_space<hbm>>, %arg4: memref<819200x128xf32, #tpu.memory_space<hbm>>, %arg5: memref<200x128xi32, #tpu.memory_space<vmem>>, %arg6: memref<128x128xf32, #tpu.memory_space<vmem>>, %arg7: memref<128x128xf32, #tpu.memory_space<vmem>>, %arg8: memref<128x128xf32, #tpu.memory_space<vmem>>, %arg9: memref<128x128xf32, #tpu.memory_space<vmem>>, %arg10: memref<!tpu.dma_semaphore, #tpu.memory_space<semaphore_mem>>, %arg11: memref<!tpu.dma_semaphore, #tpu.memory_space<semaphore_mem>>, %arg12: memref<!tpu.dma_semaphore, #tpu.memory_space<semaphore_mem>>, %arg13: memref<!tpu.dma_semaphore, #tpu.memory_space<semaphore_mem>>, %arg14: memref<!tpu.dma_semaphore, #tpu.memory_space<semaphore_mem>>, %arg15: memref<!tpu.dma_semaphore, #tpu.memory_space<semaphore_mem>>, %arg16: memref<!tpu.dma_semaphore, #tpu.memory_space<semaphore_mem>>, %arg17: memref<!tpu.dma_semaphore, #tpu.memory_space<semaphore_mem>>) attributes {dimension_semantics = [#tpu.dimension_semantics<core_parallel>, #tpu.dimension_semantics<subcore_parallel>], iteration_bounds = array<i64: 2, 16>, scalar_prefetch = 0 : i64, scratch_operands = 13 : i64, tpu.core_type = #tpu.core_type<sc_vector_subcore>, window_params = [{transform_indices = #map}, {transform_indices = #map}, {transform_indices = #map}]} {
    %mul3A = arith.constant 2 : i32
    %mul3A_0 = arith.muli %arg1, %mul3A : i32
    %add3A = arith.addi %mul3A_0, %arg0 : i32
    %mul3A_1 = arith.constant 200 : i32
    %mul3A_2 = arith.muli %add3A, %mul3A_1 : i32
    %mul3A_3 = arith.constant 128 : i32
    %mul3A_4 = arith.muli %mul3A_2, %mul3A_3 : i32
    "tpu.region"() ({
      %run_scoped3A = tpu.sem_alloc : memref<!tpu.dma_semaphore, #tpu.memory_space<semaphore_mem>>
      %dma_start3A_200 = arith.constant 0 : i32
      %dma_start3A_201 = tpu.memref_slice %arg2[%mul3A_2, %dma_start3A_200] : memref<6400x128xi32, #tpu.memory_space<hbm>> -> memref<200x128xi32, #tpu.memory_space<hbm>>
      %dma_start3A_202 = arith.constant 0 : i32
      %dma_start3A_203 = tpu.memref_slice %arg2[%mul3A_2, %dma_start3A_202] : memref<6400x128xi32, #tpu.memory_space<hbm>> -> memref<200x128xi32, #tpu.memory_space<hbm>>
      tpu.enqueue_dma source(%dma_start3A_203 : memref<200x128xi32, #tpu.memory_space<hbm>>) target(%arg5 : memref<200x128xi32, #tpu.memory_space<vmem>>) target_semaphore(%run_scoped3A : memref<!tpu.dma_semaphore, #tpu.memory_space<semaphore_mem>>)
      %dma_wait3A_204 = arith.constant 0 : i32
      %dma_wait3A_205 = tpu.memref_slice %arg2[%mul3A_2, %dma_wait3A_204] : memref<6400x128xi32, #tpu.memory_space<hbm>> -> memref<200x128xi32, #tpu.memory_space<hbm>>
      %dma_wait3A_206 = arith.constant 0 : i32
      %dma_wait3A_207 = tpu.memref_slice %arg2[%mul3A_2, %dma_wait3A_206] : memref<6400x128xi32, #tpu.memory_space<hbm>> -> memref<200x128xi32, #tpu.memory_space<hbm>>
      tpu.wait_dma2 semaphore(%run_scoped3A : memref<!tpu.dma_semaphore, #tpu.memory_space<semaphore_mem>>) src(%dma_wait3A_207 : memref<200x128xi32, #tpu.memory_space<hbm>>) dst(%arg5 : memref<200x128xi32, #tpu.memory_space<vmem>>)
      tpu.yield
    }) : () -> ()
    %dma_start3A = arith.constant 0 : i32
    %dma_start3A_5 = arith.constant 0 : i32
    %dma_start3A_6 = tpu.memref_slice %arg5[%dma_start3A, %dma_start3A_5] : memref<200x128xi32, #tpu.memory_space<vmem>> -> memref<1x128xi32, #tpu.memory_space<vmem>>
    %dma_start3A_7 = tpu.memref_squeeze %dma_start3A_6 : memref<1x128xi32, #tpu.memory_space<vmem>> -> memref<128xi32, #tpu.memory_space<vmem>>
    %dma_start3A_8 = arith.constant 0 : i32
    %dma_start3A_9 = arith.constant 0 : i32
    %dma_start3A_10 = tpu.memref_slice %arg3[%dma_start3A_8, %dma_start3A_9] : memref<100000x128xf32, #tpu.memory_space<hbm>> -> memref<100000x128xf32, #tpu.memory_space<hbm>>
    tpu.enqueue_indirect_dma source(%dma_start3A_10 : memref<100000x128xf32, #tpu.memory_space<hbm>>) target(%arg6 : memref<128x128xf32, #tpu.memory_space<vmem>>) offsets(%dma_start3A_7 : memref<128xi32, #tpu.memory_space<vmem>>) semaphore(%arg10 : memref<!tpu.dma_semaphore, #tpu.memory_space<semaphore_mem>>)
    %dma_start3A_11 = arith.constant 1 : i32
    %dma_start3A_12 = arith.constant 0 : i32
    %dma_start3A_13 = tpu.memref_slice %arg5[%dma_start3A_11, %dma_start3A_12] : memref<200x128xi32, #tpu.memory_space<vmem>> -> memref<1x128xi32, #tpu.memory_space<vmem>>
    %dma_start3A_14 = tpu.memref_squeeze %dma_start3A_13 : memref<1x128xi32, #tpu.memory_space<vmem>> -> memref<128xi32, #tpu.memory_space<vmem>>
    %dma_start3A_15 = arith.constant 0 : i32
    %dma_start3A_16 = arith.constant 0 : i32
    %dma_start3A_17 = tpu.memref_slice %arg3[%dma_start3A_15, %dma_start3A_16] : memref<100000x128xf32, #tpu.memory_space<hbm>> -> memref<100000x128xf32, #tpu.memory_space<hbm>>
    tpu.enqueue_indirect_dma source(%dma_start3A_17 : memref<100000x128xf32, #tpu.memory_space<hbm>>) target(%arg7 : memref<128x128xf32, #tpu.memory_space<vmem>>) offsets(%dma_start3A_14 : memref<128xi32, #tpu.memory_space<vmem>>) semaphore(%arg11 : memref<!tpu.dma_semaphore, #tpu.memory_space<semaphore_mem>>)
    %dma_start3A_18 = arith.constant 2 : i32
    %dma_start3A_19 = arith.constant 0 : i32
    %dma_start3A_20 = tpu.memref_slice %arg5[%dma_start3A_18, %dma_start3A_19] : memref<200x128xi32, #tpu.memory_space<vmem>> -> memref<1x128xi32, #tpu.memory_space<vmem>>
    %dma_start3A_21 = tpu.memref_squeeze %dma_start3A_20 : memref<1x128xi32, #tpu.memory_space<vmem>> -> memref<128xi32, #tpu.memory_space<vmem>>
    %dma_start3A_22 = arith.constant 0 : i32
    %dma_start3A_23 = arith.constant 0 : i32
    %dma_start3A_24 = tpu.memref_slice %arg3[%dma_start3A_22, %dma_start3A_23] : memref<100000x128xf32, #tpu.memory_space<hbm>> -> memref<100000x128xf32, #tpu.memory_space<hbm>>
    tpu.enqueue_indirect_dma source(%dma_start3A_24 : memref<100000x128xf32, #tpu.memory_space<hbm>>) target(%arg8 : memref<128x128xf32, #tpu.memory_space<vmem>>) offsets(%dma_start3A_21 : memref<128xi32, #tpu.memory_space<vmem>>) semaphore(%arg12 : memref<!tpu.dma_semaphore, #tpu.memory_space<semaphore_mem>>)
    %dma_wait3A = arith.constant 0 : i32
    %dma_wait3A_25 = arith.constant 0 : i32
    %dma_wait3A_26 = tpu.memref_slice %arg5[%dma_wait3A, %dma_wait3A_25] : memref<200x128xi32, #tpu.memory_space<vmem>> -> memref<1x128xi32, #tpu.memory_space<vmem>>
    %dma_wait3A_27 = tpu.memref_squeeze %dma_wait3A_26 : memref<1x128xi32, #tpu.memory_space<vmem>> -> memref<128xi32, #tpu.memory_space<vmem>>
    %dma_wait3A_28 = arith.constant 0 : i32
    %dma_wait3A_29 = arith.constant 0 : i32
    %dma_wait3A_30 = tpu.memref_slice %arg3[%dma_wait3A_28, %dma_wait3A_29] : memref<100000x128xf32, #tpu.memory_space<hbm>> -> memref<100000x128xf32, #tpu.memory_space<hbm>>
    tpu.wait_indirect_dma semaphore(%arg10 : memref<!tpu.dma_semaphore, #tpu.memory_space<semaphore_mem>>) src(%dma_wait3A_30 : memref<100000x128xf32, #tpu.memory_space<hbm>>) dst(%arg6 : memref<128x128xf32, #tpu.memory_space<vmem>>)
    %add3A_31 = arith.constant 0 : i32
    %add3A_32 = arith.addi %mul3A_4, %add3A_31 : i32
    %dma_start3A_33 = arith.constant 0 : i32
    %dma_start3A_34 = tpu.memref_slice %arg4[%add3A_32, %dma_start3A_33] : memref<819200x128xf32, #tpu.memory_space<hbm>> -> memref<128x128xf32, #tpu.memory_space<hbm>>
    %dma_start3A_35 = arith.constant 0 : i32
    %dma_start3A_36 = tpu.memref_slice %arg4[%add3A_32, %dma_start3A_35] : memref<819200x128xf32, #tpu.memory_space<hbm>> -> memref<128x128xf32, #tpu.memory_space<hbm>>
    tpu.enqueue_dma source(%arg6 : memref<128x128xf32, #tpu.memory_space<vmem>>) target(%dma_start3A_36 : memref<128x128xf32, #tpu.memory_space<hbm>>) target_semaphore(%arg14 : memref<!tpu.dma_semaphore, #tpu.memory_space<semaphore_mem>>)
    %dma_start3A_37 = arith.constant 3 : i32
    %dma_start3A_38 = arith.constant 0 : i32
    %dma_start3A_39 = tpu.memref_slice %arg5[%dma_start3A_37, %dma_start3A_38] : memref<200x128xi32, #tpu.memory_space<vmem>> -> memref<1x128xi32, #tpu.memory_space<vmem>>
    %dma_start3A_40 = tpu.memref_squeeze %dma_start3A_39 : memref<1x128xi32, #tpu.memory_space<vmem>> -> memref<128xi32, #tpu.memory_space<vmem>>
    %dma_start3A_41 = arith.constant 0 : i32
    %dma_start3A_42 = arith.constant 0 : i32
    %dma_start3A_43 = tpu.memref_slice %arg3[%dma_start3A_41, %dma_start3A_42] : memref<100000x128xf32, #tpu.memory_space<hbm>> -> memref<100000x128xf32, #tpu.memory_space<hbm>>
    tpu.enqueue_indirect_dma source(%dma_start3A_43 : memref<100000x128xf32, #tpu.memory_space<hbm>>) target(%arg9 : memref<128x128xf32, #tpu.memory_space<vmem>>) offsets(%dma_start3A_40 : memref<128xi32, #tpu.memory_space<vmem>>) semaphore(%arg13 : memref<!tpu.dma_semaphore, #tpu.memory_space<semaphore_mem>>)
    %dma_wait3A_44 = arith.constant 0 : i32
    %dma_wait3A_45 = arith.constant 0 : i32
    %dma_wait3A_46 = tpu.memref_slice %arg5[%dma_wait3A_44, %dma_wait3A_45] : memref<200x128xi32, #tpu.memory_space<vmem>> -> memref<1x128xi32, #tpu.memory_space<vmem>>
    %dma_wait3A_47 = tpu.memref_squeeze %dma_wait3A_46 : memref<1x128xi32, #tpu.memory_space<vmem>> -> memref<128xi32, #tpu.memory_space<vmem>>
    %dma_wait3A_48 = arith.constant 0 : i32
    %dma_wait3A_49 = arith.constant 0 : i32
    %dma_wait3A_50 = tpu.memref_slice %arg3[%dma_wait3A_48, %dma_wait3A_49] : memref<100000x128xf32, #tpu.memory_space<hbm>> -> memref<100000x128xf32, #tpu.memory_space<hbm>>
    tpu.wait_indirect_dma semaphore(%arg11 : memref<!tpu.dma_semaphore, #tpu.memory_space<semaphore_mem>>) src(%dma_wait3A_50 : memref<100000x128xf32, #tpu.memory_space<hbm>>) dst(%arg7 : memref<128x128xf32, #tpu.memory_space<vmem>>)
    %add3A_51 = arith.constant 128 : i32
    %add3A_52 = arith.addi %mul3A_4, %add3A_51 : i32
    %dma_start3A_53 = arith.constant 0 : i32
    %dma_start3A_54 = tpu.memref_slice %arg4[%add3A_52, %dma_start3A_53] : memref<819200x128xf32, #tpu.memory_space<hbm>> -> memref<128x128xf32, #tpu.memory_space<hbm>>
    %dma_start3A_55 = arith.constant 0 : i32
    %dma_start3A_56 = tpu.memref_slice %arg4[%add3A_52, %dma_start3A_55] : memref<819200x128xf32, #tpu.memory_space<hbm>> -> memref<128x128xf32, #tpu.memory_space<hbm>>
    tpu.enqueue_dma source(%arg7 : memref<128x128xf32, #tpu.memory_space<vmem>>) target(%dma_start3A_56 : memref<128x128xf32, #tpu.memory_space<hbm>>) target_semaphore(%arg15 : memref<!tpu.dma_semaphore, #tpu.memory_space<semaphore_mem>>)
    %dma_wait3A_57 = arith.constant 0 : i32
    %dma_wait3A_58 = tpu.memref_slice %arg4[%mul3A_4, %dma_wait3A_57] : memref<819200x128xf32, #tpu.memory_space<hbm>> -> memref<128x128xf32, #tpu.memory_space<hbm>>
    %dma_wait3A_59 = arith.constant 0 : i32
    %dma_wait3A_60 = tpu.memref_slice %arg4[%mul3A_4, %dma_wait3A_59] : memref<819200x128xf32, #tpu.memory_space<hbm>> -> memref<128x128xf32, #tpu.memory_space<hbm>>
    tpu.wait_dma2 semaphore(%arg14 : memref<!tpu.dma_semaphore, #tpu.memory_space<semaphore_mem>>) src(%arg6 : memref<128x128xf32, #tpu.memory_space<vmem>>) dst(%dma_wait3A_60 : memref<128x128xf32, #tpu.memory_space<hbm>>)
    %dma_start3A_61 = arith.constant 4 : i32
    %dma_start3A_62 = arith.constant 0 : i32
    %dma_start3A_63 = tpu.memref_slice %arg5[%dma_start3A_61, %dma_start3A_62] : memref<200x128xi32, #tpu.memory_space<vmem>> -> memref<1x128xi32, #tpu.memory_space<vmem>>
    %dma_start3A_64 = tpu.memref_squeeze %dma_start3A_63 : memref<1x128xi32, #tpu.memory_space<vmem>> -> memref<128xi32, #tpu.memory_space<vmem>>
    %dma_start3A_65 = arith.constant 0 : i32
    %dma_start3A_66 = arith.constant 0 : i32
    %dma_start3A_67 = tpu.memref_slice %arg3[%dma_start3A_65, %dma_start3A_66] : memref<100000x128xf32, #tpu.memory_space<hbm>> -> memref<100000x128xf32, #tpu.memory_space<hbm>>
    tpu.enqueue_indirect_dma source(%dma_start3A_67 : memref<100000x128xf32, #tpu.memory_space<hbm>>) target(%arg6 : memref<128x128xf32, #tpu.memory_space<vmem>>) offsets(%dma_start3A_64 : memref<128xi32, #tpu.memory_space<vmem>>) semaphore(%arg10 : memref<!tpu.dma_semaphore, #tpu.memory_space<semaphore_mem>>)
    %dma_wait3A_68 = arith.constant 0 : i32
    %dma_wait3A_69 = arith.constant 0 : i32
    %dma_wait3A_70 = tpu.memref_slice %arg5[%dma_wait3A_68, %dma_wait3A_69] : memref<200x128xi32, #tpu.memory_space<vmem>> -> memref<1x128xi32, #tpu.memory_space<vmem>>
    %dma_wait3A_71 = tpu.memref_squeeze %dma_wait3A_70 : memref<1x128xi32, #tpu.memory_space<vmem>> -> memref<128xi32, #tpu.memory_space<vmem>>
    %dma_wait3A_72 = arith.constant 0 : i32
    %dma_wait3A_73 = arith.constant 0 : i32
    %dma_wait3A_74 = tpu.memref_slice %arg3[%dma_wait3A_72, %dma_wait3A_73] : memref<100000x128xf32, #tpu.memory_space<hbm>> -> memref<100000x128xf32, #tpu.memory_space<hbm>>
    tpu.wait_indirect_dma semaphore(%arg12 : memref<!tpu.dma_semaphore, #tpu.memory_space<semaphore_mem>>) src(%dma_wait3A_74 : memref<100000x128xf32, #tpu.memory_space<hbm>>) dst(%arg8 : memref<128x128xf32, #tpu.memory_space<vmem>>)
    %add3A_75 = arith.constant 256 : i32
    %add3A_76 = arith.addi %mul3A_4, %add3A_75 : i32
    %dma_start3A_77 = arith.constant 0 : i32
    %dma_start3A_78 = tpu.memref_slice %arg4[%add3A_76, %dma_start3A_77] : memref<819200x128xf32, #tpu.memory_space<hbm>> -> memref<128x128xf32, #tpu.memory_space<hbm>>
    %dma_start3A_79 = arith.constant 0 : i32
    %dma_start3A_80 = tpu.memref_slice %arg4[%add3A_76, %dma_start3A_79] : memref<819200x128xf32, #tpu.memory_space<hbm>> -> memref<128x128xf32, #tpu.memory_space<hbm>>
    tpu.enqueue_dma source(%arg8 : memref<128x128xf32, #tpu.memory_space<vmem>>) target(%dma_start3A_80 : memref<128x128xf32, #tpu.memory_space<hbm>>) target_semaphore(%arg16 : memref<!tpu.dma_semaphore, #tpu.memory_space<semaphore_mem>>)
    %dma_wait3A_81 = arith.constant 0 : i32
    %dma_wait3A_82 = tpu.memref_slice %arg4[%mul3A_4, %dma_wait3A_81] : memref<819200x128xf32, #tpu.memory_space<hbm>> -> memref<128x128xf32, #tpu.memory_space<hbm>>
    %dma_wait3A_83 = arith.constant 0 : i32
    %dma_wait3A_84 = tpu.memref_slice %arg4[%mul3A_4, %dma_wait3A_83] : memref<819200x128xf32, #tpu.memory_space<hbm>> -> memref<128x128xf32, #tpu.memory_space<hbm>>
    tpu.wait_dma2 semaphore(%arg15 : memref<!tpu.dma_semaphore, #tpu.memory_space<semaphore_mem>>) src(%arg7 : memref<128x128xf32, #tpu.memory_space<vmem>>) dst(%dma_wait3A_84 : memref<128x128xf32, #tpu.memory_space<hbm>>)
    %dma_start3A_85 = arith.constant 5 : i32
    %dma_start3A_86 = arith.constant 0 : i32
    %dma_start3A_87 = tpu.memref_slice %arg5[%dma_start3A_85, %dma_start3A_86] : memref<200x128xi32, #tpu.memory_space<vmem>> -> memref<1x128xi32, #tpu.memory_space<vmem>>
    %dma_start3A_88 = tpu.memref_squeeze %dma_start3A_87 : memref<1x128xi32, #tpu.memory_space<vmem>> -> memref<128xi32, #tpu.memory_space<vmem>>
    %dma_start3A_89 = arith.constant 0 : i32
    %dma_start3A_90 = arith.constant 0 : i32
    %dma_start3A_91 = tpu.memref_slice %arg3[%dma_start3A_89, %dma_start3A_90] : memref<100000x128xf32, #tpu.memory_space<hbm>> -> memref<100000x128xf32, #tpu.memory_space<hbm>>
    tpu.enqueue_indirect_dma source(%dma_start3A_91 : memref<100000x128xf32, #tpu.memory_space<hbm>>) target(%arg7 : memref<128x128xf32, #tpu.memory_space<vmem>>) offsets(%dma_start3A_88 : memref<128xi32, #tpu.memory_space<vmem>>) semaphore(%arg11 : memref<!tpu.dma_semaphore, #tpu.memory_space<semaphore_mem>>)
    %dma_wait3A_92 = arith.constant 0 : i32
    %dma_wait3A_93 = arith.constant 0 : i32
    %dma_wait3A_94 = tpu.memref_slice %arg5[%dma_wait3A_92, %dma_wait3A_93] : memref<200x128xi32, #tpu.memory_space<vmem>> -> memref<1x128xi32, #tpu.memory_space<vmem>>
    %dma_wait3A_95 = tpu.memref_squeeze %dma_wait3A_94 : memref<1x128xi32, #tpu.memory_space<vmem>> -> memref<128xi32, #tpu.memory_space<vmem>>
    %dma_wait3A_96 = arith.constant 0 : i32
    %dma_wait3A_97 = arith.constant 0 : i32
    %dma_wait3A_98 = tpu.memref_slice %arg3[%dma_wait3A_96, %dma_wait3A_97] : memref<100000x128xf32, #tpu.memory_space<hbm>> -> memref<100000x128xf32, #tpu.memory_space<hbm>>
    tpu.wait_indirect_dma semaphore(%arg13 : memref<!tpu.dma_semaphore, #tpu.memory_space<semaphore_mem>>) src(%dma_wait3A_98 : memref<100000x128xf32, #tpu.memory_space<hbm>>) dst(%arg9 : memref<128x128xf32, #tpu.memory_space<vmem>>)
    %add3A_99 = arith.constant 384 : i32
    %add3A_100 = arith.addi %mul3A_4, %add3A_99 : i32
    %dma_start3A_101 = arith.constant 0 : i32
    %dma_start3A_102 = tpu.memref_slice %arg4[%add3A_100, %dma_start3A_101] : memref<819200x128xf32, #tpu.memory_space<hbm>> -> memref<128x128xf32, #tpu.memory_space<hbm>>
    %dma_start3A_103 = arith.constant 0 : i32
    %dma_start3A_104 = tpu.memref_slice %arg4[%add3A_100, %dma_start3A_103] : memref<819200x128xf32, #tpu.memory_space<hbm>> -> memref<128x128xf32, #tpu.memory_space<hbm>>
    tpu.enqueue_dma source(%arg9 : memref<128x128xf32, #tpu.memory_space<vmem>>) target(%dma_start3A_104 : memref<128x128xf32, #tpu.memory_space<hbm>>) target_semaphore(%arg17 : memref<!tpu.dma_semaphore, #tpu.memory_space<semaphore_mem>>)
    %scan3A = arith.constant 0 : i32
    %scan3A_105 = arith.constant 1 : i32
    %scan3A_106 = arith.constant 48 : i32
    %scan3A_107 = arith.addi %scan3A_105, %scan3A_106 : i32
    %scan3A_108 = arith.constant 1 : i32
    scf.for %scan3A_200 = %scan3A_105 to %scan3A_107 step %scan3A_108  : i32 {
      %mul3A_201 = arith.constant 4 : i32
      %mul3A_202 = arith.muli %scan3A_200, %mul3A_201 : i32
      %add3A_203 = arith.constant 0 : i32
      %add3A_204 = arith.addi %mul3A_202, %add3A_203 : i32
      %dma_wait3A_205 = arith.constant 0 : i32
      %dma_wait3A_206 = tpu.memref_slice %arg4[%mul3A_4, %dma_wait3A_205] : memref<819200x128xf32, #tpu.memory_space<hbm>> -> memref<128x128xf32, #tpu.memory_space<hbm>>
      %dma_wait3A_207 = arith.constant 0 : i32
      %dma_wait3A_208 = tpu.memref_slice %arg4[%mul3A_4, %dma_wait3A_207] : memref<819200x128xf32, #tpu.memory_space<hbm>> -> memref<128x128xf32, #tpu.memory_space<hbm>>
      tpu.wait_dma2 semaphore(%arg16 : memref<!tpu.dma_semaphore, #tpu.memory_space<semaphore_mem>>) src(%arg8 : memref<128x128xf32, #tpu.memory_space<vmem>>) dst(%dma_wait3A_208 : memref<128x128xf32, #tpu.memory_space<hbm>>)
      %add3A_209 = arith.constant 2 : i32
      %add3A_210 = arith.addi %add3A_204, %add3A_209 : i32
      %dma_start3A_211 = arith.constant 0 : i32
      %dma_start3A_212 = tpu.memref_slice %arg5[%add3A_210, %dma_start3A_211] : memref<200x128xi32, #tpu.memory_space<vmem>> -> memref<1x128xi32, #tpu.memory_space<vmem>>
      %dma_start3A_213 = tpu.memref_squeeze %dma_start3A_212 : memref<1x128xi32, #tpu.memory_space<vmem>> -> memref<128xi32, #tpu.memory_space<vmem>>
      %dma_start3A_214 = arith.constant 0 : i32
      %dma_start3A_215 = arith.constant 0 : i32
      %dma_start3A_216 = tpu.memref_slice %arg3[%dma_start3A_214, %dma_start3A_215] : memref<100000x128xf32, #tpu.memory_space<hbm>> -> memref<100000x128xf32, #tpu.memory_space<hbm>>
      tpu.enqueue_indirect_dma source(%dma_start3A_216 : memref<100000x128xf32, #tpu.memory_space<hbm>>) target(%arg8 : memref<128x128xf32, #tpu.memory_space<vmem>>) offsets(%dma_start3A_213 : memref<128xi32, #tpu.memory_space<vmem>>) semaphore(%arg12 : memref<!tpu.dma_semaphore, #tpu.memory_space<semaphore_mem>>)
      %dma_wait3A_217 = arith.constant 0 : i32
      %dma_wait3A_218 = arith.constant 0 : i32
      %dma_wait3A_219 = tpu.memref_slice %arg5[%dma_wait3A_217, %dma_wait3A_218] : memref<200x128xi32, #tpu.memory_space<vmem>> -> memref<1x128xi32, #tpu.memory_space<vmem>>
      %dma_wait3A_220 = tpu.memref_squeeze %dma_wait3A_219 : memref<1x128xi32, #tpu.memory_space<vmem>> -> memref<128xi32, #tpu.memory_space<vmem>>
      %dma_wait3A_221 = arith.constant 0 : i32
      %dma_wait3A_222 = arith.constant 0 : i32
      %dma_wait3A_223 = tpu.memref_slice %arg3[%dma_wait3A_221, %dma_wait3A_222] : memref<100000x128xf32, #tpu.memory_space<hbm>> -> memref<100000x128xf32, #tpu.memory_space<hbm>>
      tpu.wait_indirect_dma semaphore(%arg10 : memref<!tpu.dma_semaphore, #tpu.memory_space<semaphore_mem>>) src(%dma_wait3A_223 : memref<100000x128xf32, #tpu.memory_space<hbm>>) dst(%arg6 : memref<128x128xf32, #tpu.memory_space<vmem>>)
      %mul3A_224 = arith.constant 128 : i32
      %mul3A_225 = arith.muli %add3A_204, %mul3A_224 : i32
      %add3A_226 = arith.addi %mul3A_4, %mul3A_225 : i32
      %dma_start3A_227 = arith.constant 0 : i32
      %dma_start3A_228 = tpu.memref_slice %arg4[%add3A_226, %dma_start3A_227] : memref<819200x128xf32, #tpu.memory_space<hbm>> -> memref<128x128xf32, #tpu.memory_space<hbm>>
      %dma_start3A_229 = arith.constant 0 : i32
      %dma_start3A_230 = tpu.memref_slice %arg4[%add3A_226, %dma_start3A_229] : memref<819200x128xf32, #tpu.memory_space<hbm>> -> memref<128x128xf32, #tpu.memory_space<hbm>>
      tpu.enqueue_dma source(%arg6 : memref<128x128xf32, #tpu.memory_space<vmem>>) target(%dma_start3A_230 : memref<128x128xf32, #tpu.memory_space<hbm>>) target_semaphore(%arg14 : memref<!tpu.dma_semaphore, #tpu.memory_space<semaphore_mem>>)
      %mul3A_231 = arith.constant 4 : i32
      %mul3A_232 = arith.muli %scan3A_200, %mul3A_231 : i32
      %add3A_233 = arith.constant 1 : i32
      %add3A_234 = arith.addi %mul3A_232, %add3A_233 : i32
      %dma_wait3A_235 = arith.constant 0 : i32
      %dma_wait3A_236 = tpu.memref_slice %arg4[%mul3A_4, %dma_wait3A_235] : memref<819200x128xf32, #tpu.memory_space<hbm>> -> memref<128x128xf32, #tpu.memory_space<hbm>>
      %dma_wait3A_237 = arith.constant 0 : i32
      %dma_wait3A_238 = tpu.memref_slice %arg4[%mul3A_4, %dma_wait3A_237] : memref<819200x128xf32, #tpu.memory_space<hbm>> -> memref<128x128xf32, #tpu.memory_space<hbm>>
      tpu.wait_dma2 semaphore(%arg17 : memref<!tpu.dma_semaphore, #tpu.memory_space<semaphore_mem>>) src(%arg9 : memref<128x128xf32, #tpu.memory_space<vmem>>) dst(%dma_wait3A_238 : memref<128x128xf32, #tpu.memory_space<hbm>>)
      %add3A_239 = arith.constant 2 : i32
      %add3A_240 = arith.addi %add3A_234, %add3A_239 : i32
      %dma_start3A_241 = arith.constant 0 : i32
      %dma_start3A_242 = tpu.memref_slice %arg5[%add3A_240, %dma_start3A_241] : memref<200x128xi32, #tpu.memory_space<vmem>> -> memref<1x128xi32, #tpu.memory_space<vmem>>
      %dma_start3A_243 = tpu.memref_squeeze %dma_start3A_242 : memref<1x128xi32, #tpu.memory_space<vmem>> -> memref<128xi32, #tpu.memory_space<vmem>>
      %dma_start3A_244 = arith.constant 0 : i32
      %dma_start3A_245 = arith.constant 0 : i32
      %dma_start3A_246 = tpu.memref_slice %arg3[%dma_start3A_244, %dma_start3A_245] : memref<100000x128xf32, #tpu.memory_space<hbm>> -> memref<100000x128xf32, #tpu.memory_space<hbm>>
      tpu.enqueue_indirect_dma source(%dma_start3A_246 : memref<100000x128xf32, #tpu.memory_space<hbm>>) target(%arg9 : memref<128x128xf32, #tpu.memory_space<vmem>>) offsets(%dma_start3A_243 : memref<128xi32, #tpu.memory_space<vmem>>) semaphore(%arg13 : memref<!tpu.dma_semaphore, #tpu.memory_space<semaphore_mem>>)
      %dma_wait3A_247 = arith.constant 0 : i32
      %dma_wait3A_248 = arith.constant 0 : i32
      %dma_wait3A_249 = tpu.memref_slice %arg5[%dma_wait3A_247, %dma_wait3A_248] : memref<200x128xi32, #tpu.memory_space<vmem>> -> memref<1x128xi32, #tpu.memory_space<vmem>>
      %dma_wait3A_250 = tpu.memref_squeeze %dma_wait3A_249 : memref<1x128xi32, #tpu.memory_space<vmem>> -> memref<128xi32, #tpu.memory_space<vmem>>
      %dma_wait3A_251 = arith.constant 0 : i32
      %dma_wait3A_252 = arith.constant 0 : i32
      %dma_wait3A_253 = tpu.memref_slice %arg3[%dma_wait3A_251, %dma_wait3A_252] : memref<100000x128xf32, #tpu.memory_space<hbm>> -> memref<100000x128xf32, #tpu.memory_space<hbm>>
      tpu.wait_indirect_dma semaphore(%arg11 : memref<!tpu.dma_semaphore, #tpu.memory_space<semaphore_mem>>) src(%dma_wait3A_253 : memref<100000x128xf32, #tpu.memory_space<hbm>>) dst(%arg7 : memref<128x128xf32, #tpu.memory_space<vmem>>)
      %mul3A_254 = arith.constant 128 : i32
      %mul3A_255 = arith.muli %add3A_234, %mul3A_254 : i32
      %add3A_256 = arith.addi %mul3A_4, %mul3A_255 : i32
      %dma_start3A_257 = arith.constant 0 : i32
      %dma_start3A_258 = tpu.memref_slice %arg4[%add3A_256, %dma_start3A_257] : memref<819200x128xf32, #tpu.memory_space<hbm>> -> memref<128x128xf32, #tpu.memory_space<hbm>>
      %dma_start3A_259 = arith.constant 0 : i32
      %dma_start3A_260 = tpu.memref_slice %arg4[%add3A_256, %dma_start3A_259] : memref<819200x128xf32, #tpu.memory_space<hbm>> -> memref<128x128xf32, #tpu.memory_space<hbm>>
      tpu.enqueue_dma source(%arg7 : memref<128x128xf32, #tpu.memory_space<vmem>>) target(%dma_start3A_260 : memref<128x128xf32, #tpu.memory_space<hbm>>) target_semaphore(%arg15 : memref<!tpu.dma_semaphore, #tpu.memory_space<semaphore_mem>>)
      %mul3A_261 = arith.constant 4 : i32
      %mul3A_262 = arith.muli %scan3A_200, %mul3A_261 : i32
      %add3A_263 = arith.constant 2 : i32
      %add3A_264 = arith.addi %mul3A_262, %add3A_263 : i32
      %dma_wait3A_265 = arith.constant 0 : i32
      %dma_wait3A_266 = tpu.memref_slice %arg4[%mul3A_4, %dma_wait3A_265] : memref<819200x128xf32, #tpu.memory_space<hbm>> -> memref<128x128xf32, #tpu.memory_space<hbm>>
      %dma_wait3A_267 = arith.constant 0 : i32
      %dma_wait3A_268 = tpu.memref_slice %arg4[%mul3A_4, %dma_wait3A_267] : memref<819200x128xf32, #tpu.memory_space<hbm>> -> memref<128x128xf32, #tpu.memory_space<hbm>>
      tpu.wait_dma2 semaphore(%arg14 : memref<!tpu.dma_semaphore, #tpu.memory_space<semaphore_mem>>) src(%arg6 : memref<128x128xf32, #tpu.memory_space<vmem>>) dst(%dma_wait3A_268 : memref<128x128xf32, #tpu.memory_space<hbm>>)
      %add3A_269 = arith.constant 2 : i32
      %add3A_270 = arith.addi %add3A_264, %add3A_269 : i32
      %dma_start3A_271 = arith.constant 0 : i32
      %dma_start3A_272 = tpu.memref_slice %arg5[%add3A_270, %dma_start3A_271] : memref<200x128xi32, #tpu.memory_space<vmem>> -> memref<1x128xi32, #tpu.memory_space<vmem>>
      %dma_start3A_273 = tpu.memref_squeeze %dma_start3A_272 : memref<1x128xi32, #tpu.memory_space<vmem>> -> memref<128xi32, #tpu.memory_space<vmem>>
      %dma_start3A_274 = arith.constant 0 : i32
      %dma_start3A_275 = arith.constant 0 : i32
      %dma_start3A_276 = tpu.memref_slice %arg3[%dma_start3A_274, %dma_start3A_275] : memref<100000x128xf32, #tpu.memory_space<hbm>> -> memref<100000x128xf32, #tpu.memory_space<hbm>>
      tpu.enqueue_indirect_dma source(%dma_start3A_276 : memref<100000x128xf32, #tpu.memory_space<hbm>>) target(%arg6 : memref<128x128xf32, #tpu.memory_space<vmem>>) offsets(%dma_start3A_273 : memref<128xi32, #tpu.memory_space<vmem>>) semaphore(%arg10 : memref<!tpu.dma_semaphore, #tpu.memory_space<semaphore_mem>>)
      %dma_wait3A_277 = arith.constant 0 : i32
      %dma_wait3A_278 = arith.constant 0 : i32
      %dma_wait3A_279 = tpu.memref_slice %arg5[%dma_wait3A_277, %dma_wait3A_278] : memref<200x128xi32, #tpu.memory_space<vmem>> -> memref<1x128xi32, #tpu.memory_space<vmem>>
      %dma_wait3A_280 = tpu.memref_squeeze %dma_wait3A_279 : memref<1x128xi32, #tpu.memory_space<vmem>> -> memref<128xi32, #tpu.memory_space<vmem>>
      %dma_wait3A_281 = arith.constant 0 : i32
      %dma_wait3A_282 = arith.constant 0 : i32
      %dma_wait3A_283 = tpu.memref_slice %arg3[%dma_wait3A_281, %dma_wait3A_282] : memref<100000x128xf32, #tpu.memory_space<hbm>> -> memref<100000x128xf32, #tpu.memory_space<hbm>>
      tpu.wait_indirect_dma semaphore(%arg12 : memref<!tpu.dma_semaphore, #tpu.memory_space<semaphore_mem>>) src(%dma_wait3A_283 : memref<100000x128xf32, #tpu.memory_space<hbm>>) dst(%arg8 : memref<128x128xf32, #tpu.memory_space<vmem>>)
      %mul3A_284 = arith.constant 128 : i32
      %mul3A_285 = arith.muli %add3A_264, %mul3A_284 : i32
      %add3A_286 = arith.addi %mul3A_4, %mul3A_285 : i32
      %dma_start3A_287 = arith.constant 0 : i32
      %dma_start3A_288 = tpu.memref_slice %arg4[%add3A_286, %dma_start3A_287] : memref<819200x128xf32, #tpu.memory_space<hbm>> -> memref<128x128xf32, #tpu.memory_space<hbm>>
      %dma_start3A_289 = arith.constant 0 : i32
      %dma_start3A_290 = tpu.memref_slice %arg4[%add3A_286, %dma_start3A_289] : memref<819200x128xf32, #tpu.memory_space<hbm>> -> memref<128x128xf32, #tpu.memory_space<hbm>>
      tpu.enqueue_dma source(%arg8 : memref<128x128xf32, #tpu.memory_space<vmem>>) target(%dma_start3A_290 : memref<128x128xf32, #tpu.memory_space<hbm>>) target_semaphore(%arg16 : memref<!tpu.dma_semaphore, #tpu.memory_space<semaphore_mem>>)
      %mul3A_291 = arith.constant 4 : i32
      %mul3A_292 = arith.muli %scan3A_200, %mul3A_291 : i32
      %add3A_293 = arith.constant 3 : i32
      %add3A_294 = arith.addi %mul3A_292, %add3A_293 : i32
      %dma_wait3A_295 = arith.constant 0 : i32
      %dma_wait3A_296 = tpu.memref_slice %arg4[%mul3A_4, %dma_wait3A_295] : memref<819200x128xf32, #tpu.memory_space<hbm>> -> memref<128x128xf32, #tpu.memory_space<hbm>>
      %dma_wait3A_297 = arith.constant 0 : i32
      %dma_wait3A_298 = tpu.memref_slice %arg4[%mul3A_4, %dma_wait3A_297] : memref<819200x128xf32, #tpu.memory_space<hbm>> -> memref<128x128xf32, #tpu.memory_space<hbm>>
      tpu.wait_dma2 semaphore(%arg15 : memref<!tpu.dma_semaphore, #tpu.memory_space<semaphore_mem>>) src(%arg7 : memref<128x128xf32, #tpu.memory_space<vmem>>) dst(%dma_wait3A_298 : memref<128x128xf32, #tpu.memory_space<hbm>>)
      %add3A_299 = arith.constant 2 : i32
      %add3A_300 = arith.addi %add3A_294, %add3A_299 : i32
      %dma_start3A_301 = arith.constant 0 : i32
      %dma_start3A_302 = tpu.memref_slice %arg5[%add3A_300, %dma_start3A_301] : memref<200x128xi32, #tpu.memory_space<vmem>> -> memref<1x128xi32, #tpu.memory_space<vmem>>
      %dma_start3A_303 = tpu.memref_squeeze %dma_start3A_302 : memref<1x128xi32, #tpu.memory_space<vmem>> -> memref<128xi32, #tpu.memory_space<vmem>>
      %dma_start3A_304 = arith.constant 0 : i32
      %dma_start3A_305 = arith.constant 0 : i32
      %dma_start3A_306 = tpu.memref_slice %arg3[%dma_start3A_304, %dma_start3A_305] : memref<100000x128xf32, #tpu.memory_space<hbm>> -> memref<100000x128xf32, #tpu.memory_space<hbm>>
      tpu.enqueue_indirect_dma source(%dma_start3A_306 : memref<100000x128xf32, #tpu.memory_space<hbm>>) target(%arg7 : memref<128x128xf32, #tpu.memory_space<vmem>>) offsets(%dma_start3A_303 : memref<128xi32, #tpu.memory_space<vmem>>) semaphore(%arg11 : memref<!tpu.dma_semaphore, #tpu.memory_space<semaphore_mem>>)
      %dma_wait3A_307 = arith.constant 0 : i32
      %dma_wait3A_308 = arith.constant 0 : i32
      %dma_wait3A_309 = tpu.memref_slice %arg5[%dma_wait3A_307, %dma_wait3A_308] : memref<200x128xi32, #tpu.memory_space<vmem>> -> memref<1x128xi32, #tpu.memory_space<vmem>>
      %dma_wait3A_310 = tpu.memref_squeeze %dma_wait3A_309 : memref<1x128xi32, #tpu.memory_space<vmem>> -> memref<128xi32, #tpu.memory_space<vmem>>
      %dma_wait3A_311 = arith.constant 0 : i32
      %dma_wait3A_312 = arith.constant 0 : i32
      %dma_wait3A_313 = tpu.memref_slice %arg3[%dma_wait3A_311, %dma_wait3A_312] : memref<100000x128xf32, #tpu.memory_space<hbm>> -> memref<100000x128xf32, #tpu.memory_space<hbm>>
      tpu.wait_indirect_dma semaphore(%arg13 : memref<!tpu.dma_semaphore, #tpu.memory_space<semaphore_mem>>) src(%dma_wait3A_313 : memref<100000x128xf32, #tpu.memory_space<hbm>>) dst(%arg9 : memref<128x128xf32, #tpu.memory_space<vmem>>)
      %mul3A_314 = arith.constant 128 : i32
      %mul3A_315 = arith.muli %add3A_294, %mul3A_314 : i32
      %add3A_316 = arith.addi %mul3A_4, %mul3A_315 : i32
      %dma_start3A_317 = arith.constant 0 : i32
      %dma_start3A_318 = tpu.memref_slice %arg4[%add3A_316, %dma_start3A_317] : memref<819200x128xf32, #tpu.memory_space<hbm>> -> memref<128x128xf32, #tpu.memory_space<hbm>>
      %dma_start3A_319 = arith.constant 0 : i32
      %dma_start3A_320 = tpu.memref_slice %arg4[%add3A_316, %dma_start3A_319] : memref<819200x128xf32, #tpu.memory_space<hbm>> -> memref<128x128xf32, #tpu.memory_space<hbm>>
      tpu.enqueue_dma source(%arg9 : memref<128x128xf32, #tpu.memory_space<vmem>>) target(%dma_start3A_320 : memref<128x128xf32, #tpu.memory_space<hbm>>) target_semaphore(%arg17 : memref<!tpu.dma_semaphore, #tpu.memory_space<semaphore_mem>>)
    }
    %scan3A_109 = arith.constant 48 : i32
    %dma_wait3A_110 = arith.constant 0 : i32
    %dma_wait3A_111 = tpu.memref_slice %arg4[%mul3A_4, %dma_wait3A_110] : memref<819200x128xf32, #tpu.memory_space<hbm>> -> memref<128x128xf32, #tpu.memory_space<hbm>>
    %dma_wait3A_112 = arith.constant 0 : i32
    %dma_wait3A_113 = tpu.memref_slice %arg4[%mul3A_4, %dma_wait3A_112] : memref<819200x128xf32, #tpu.memory_space<hbm>> -> memref<128x128xf32, #tpu.memory_space<hbm>>
    tpu.wait_dma2 semaphore(%arg16 : memref<!tpu.dma_semaphore, #tpu.memory_space<semaphore_mem>>) src(%arg8 : memref<128x128xf32, #tpu.memory_space<vmem>>) dst(%dma_wait3A_113 : memref<128x128xf32, #tpu.memory_space<hbm>>)
    %dma_start3A_114 = arith.constant 198 : i32
    %dma_start3A_115 = arith.constant 0 : i32
    %dma_start3A_116 = tpu.memref_slice %arg5[%dma_start3A_114, %dma_start3A_115] : memref<200x128xi32, #tpu.memory_space<vmem>> -> memref<1x128xi32, #tpu.memory_space<vmem>>
    %dma_start3A_117 = tpu.memref_squeeze %dma_start3A_116 : memref<1x128xi32, #tpu.memory_space<vmem>> -> memref<128xi32, #tpu.memory_space<vmem>>
    %dma_start3A_118 = arith.constant 0 : i32
    %dma_start3A_119 = arith.constant 0 : i32
    %dma_start3A_120 = tpu.memref_slice %arg3[%dma_start3A_118, %dma_start3A_119] : memref<100000x128xf32, #tpu.memory_space<hbm>> -> memref<100000x128xf32, #tpu.memory_space<hbm>>
    tpu.enqueue_indirect_dma source(%dma_start3A_120 : memref<100000x128xf32, #tpu.memory_space<hbm>>) target(%arg8 : memref<128x128xf32, #tpu.memory_space<vmem>>) offsets(%dma_start3A_117 : memref<128xi32, #tpu.memory_space<vmem>>) semaphore(%arg12 : memref<!tpu.dma_semaphore, #tpu.memory_space<semaphore_mem>>)
    %dma_wait3A_121 = arith.constant 0 : i32
    %dma_wait3A_122 = arith.constant 0 : i32
    %dma_wait3A_123 = tpu.memref_slice %arg5[%dma_wait3A_121, %dma_wait3A_122] : memref<200x128xi32, #tpu.memory_space<vmem>> -> memref<1x128xi32, #tpu.memory_space<vmem>>
    %dma_wait3A_124 = tpu.memref_squeeze %dma_wait3A_123 : memref<1x128xi32, #tpu.memory_space<vmem>> -> memref<128xi32, #tpu.memory_space<vmem>>
    %dma_wait3A_125 = arith.constant 0 : i32
    %dma_wait3A_126 = arith.constant 0 : i32
    %dma_wait3A_127 = tpu.memref_slice %arg3[%dma_wait3A_125, %dma_wait3A_126] : memref<100000x128xf32, #tpu.memory_space<hbm>> -> memref<100000x128xf32, #tpu.memory_space<hbm>>
    tpu.wait_indirect_dma semaphore(%arg10 : memref<!tpu.dma_semaphore, #tpu.memory_space<semaphore_mem>>) src(%dma_wait3A_127 : memref<100000x128xf32, #tpu.memory_space<hbm>>) dst(%arg6 : memref<128x128xf32, #tpu.memory_space<vmem>>)
    %add3A_128 = arith.constant 25088 : i32
    %add3A_129 = arith.addi %mul3A_4, %add3A_128 : i32
    %dma_start3A_130 = arith.constant 0 : i32
    %dma_start3A_131 = tpu.memref_slice %arg4[%add3A_129, %dma_start3A_130] : memref<819200x128xf32, #tpu.memory_space<hbm>> -> memref<128x128xf32, #tpu.memory_space<hbm>>
    %dma_start3A_132 = arith.constant 0 : i32
    %dma_start3A_133 = tpu.memref_slice %arg4[%add3A_129, %dma_start3A_132] : memref<819200x128xf32, #tpu.memory_space<hbm>> -> memref<128x128xf32, #tpu.memory_space<hbm>>
    tpu.enqueue_dma source(%arg6 : memref<128x128xf32, #tpu.memory_space<vmem>>) target(%dma_start3A_133 : memref<128x128xf32, #tpu.memory_space<hbm>>) target_semaphore(%arg14 : memref<!tpu.dma_semaphore, #tpu.memory_space<semaphore_mem>>)
    %dma_wait3A_134 = arith.constant 0 : i32
    %dma_wait3A_135 = tpu.memref_slice %arg4[%mul3A_4, %dma_wait3A_134] : memref<819200x128xf32, #tpu.memory_space<hbm>> -> memref<128x128xf32, #tpu.memory_space<hbm>>
    %dma_wait3A_136 = arith.constant 0 : i32
    %dma_wait3A_137 = tpu.memref_slice %arg4[%mul3A_4, %dma_wait3A_136] : memref<819200x128xf32, #tpu.memory_space<hbm>> -> memref<128x128xf32, #tpu.memory_space<hbm>>
    tpu.wait_dma2 semaphore(%arg17 : memref<!tpu.dma_semaphore, #tpu.memory_space<semaphore_mem>>) src(%arg9 : memref<128x128xf32, #tpu.memory_space<vmem>>) dst(%dma_wait3A_137 : memref<128x128xf32, #tpu.memory_space<hbm>>)
    %dma_start3A_138 = arith.constant 199 : i32
    %dma_start3A_139 = arith.constant 0 : i32
    %dma_start3A_140 = tpu.memref_slice %arg5[%dma_start3A_138, %dma_start3A_139] : memref<200x128xi32, #tpu.memory_space<vmem>> -> memref<1x128xi32, #tpu.memory_space<vmem>>
    %dma_start3A_141 = tpu.memref_squeeze %dma_start3A_140 : memref<1x128xi32, #tpu.memory_space<vmem>> -> memref<128xi32, #tpu.memory_space<vmem>>
    %dma_start3A_142 = arith.constant 0 : i32
    %dma_start3A_143 = arith.constant 0 : i32
    %dma_start3A_144 = tpu.memref_slice %arg3[%dma_start3A_142, %dma_start3A_143] : memref<100000x128xf32, #tpu.memory_space<hbm>> -> memref<100000x128xf32, #tpu.memory_space<hbm>>
    tpu.enqueue_indirect_dma source(%dma_start3A_144 : memref<100000x128xf32, #tpu.memory_space<hbm>>) target(%arg9 : memref<128x128xf32, #tpu.memory_space<vmem>>) offsets(%dma_start3A_141 : memref<128xi32, #tpu.memory_space<vmem>>) semaphore(%arg13 : memref<!tpu.dma_semaphore, #tpu.memory_space<semaphore_mem>>)
    %dma_wait3A_145 = arith.constant 0 : i32
    %dma_wait3A_146 = arith.constant 0 : i32
    %dma_wait3A_147 = tpu.memref_slice %arg5[%dma_wait3A_145, %dma_wait3A_146] : memref<200x128xi32, #tpu.memory_space<vmem>> -> memref<1x128xi32, #tpu.memory_space<vmem>>
    %dma_wait3A_148 = tpu.memref_squeeze %dma_wait3A_147 : memref<1x128xi32, #tpu.memory_space<vmem>> -> memref<128xi32, #tpu.memory_space<vmem>>
    %dma_wait3A_149 = arith.constant 0 : i32
    %dma_wait3A_150 = arith.constant 0 : i32
    %dma_wait3A_151 = tpu.memref_slice %arg3[%dma_wait3A_149, %dma_wait3A_150] : memref<100000x128xf32, #tpu.memory_space<hbm>> -> memref<100000x128xf32, #tpu.memory_space<hbm>>
    tpu.wait_indirect_dma semaphore(%arg11 : memref<!tpu.dma_semaphore, #tpu.memory_space<semaphore_mem>>) src(%dma_wait3A_151 : memref<100000x128xf32, #tpu.memory_space<hbm>>) dst(%arg7 : memref<128x128xf32, #tpu.memory_space<vmem>>)
    %add3A_152 = arith.constant 25216 : i32
    %add3A_153 = arith.addi %mul3A_4, %add3A_152 : i32
    %dma_start3A_154 = arith.constant 0 : i32
    %dma_start3A_155 = tpu.memref_slice %arg4[%add3A_153, %dma_start3A_154] : memref<819200x128xf32, #tpu.memory_space<hbm>> -> memref<128x128xf32, #tpu.memory_space<hbm>>
    %dma_start3A_156 = arith.constant 0 : i32
    %dma_start3A_157 = tpu.memref_slice %arg4[%add3A_153, %dma_start3A_156] : memref<819200x128xf32, #tpu.memory_space<hbm>> -> memref<128x128xf32, #tpu.memory_space<hbm>>
    tpu.enqueue_dma source(%arg7 : memref<128x128xf32, #tpu.memory_space<vmem>>) target(%dma_start3A_157 : memref<128x128xf32, #tpu.memory_space<hbm>>) target_semaphore(%arg15 : memref<!tpu.dma_semaphore, #tpu.memory_space<semaphore_mem>>)
    %dma_wait3A_158 = arith.constant 0 : i32
    %dma_wait3A_159 = tpu.memref_slice %arg4[%mul3A_4, %dma_wait3A_158] : memref<819200x128xf32, #tpu.memory_space<hbm>> -> memref<128x128xf32, #tpu.memory_space<hbm>>
    %dma_wait3A_160 = arith.constant 0 : i32
    %dma_wait3A_161 = tpu.memref_slice %arg4[%mul3A_4, %dma_wait3A_160] : memref<819200x128xf32, #tpu.memory_space<hbm>> -> memref<128x128xf32, #tpu.memory_space<hbm>>
    tpu.wait_dma2 semaphore(%arg14 : memref<!tpu.dma_semaphore, #tpu.memory_space<semaphore_mem>>) src(%arg6 : memref<128x128xf32, #tpu.memory_space<vmem>>) dst(%dma_wait3A_161 : memref<128x128xf32, #tpu.memory_space<hbm>>)
    %dma_wait3A_162 = arith.constant 0 : i32
    %dma_wait3A_163 = arith.constant 0 : i32
    %dma_wait3A_164 = tpu.memref_slice %arg5[%dma_wait3A_162, %dma_wait3A_163] : memref<200x128xi32, #tpu.memory_space<vmem>> -> memref<1x128xi32, #tpu.memory_space<vmem>>
    %dma_wait3A_165 = tpu.memref_squeeze %dma_wait3A_164 : memref<1x128xi32, #tpu.memory_space<vmem>> -> memref<128xi32, #tpu.memory_space<vmem>>
    %dma_wait3A_166 = arith.constant 0 : i32
    %dma_wait3A_167 = arith.constant 0 : i32
    %dma_wait3A_168 = tpu.memref_slice %arg3[%dma_wait3A_166, %dma_wait3A_167] : memref<100000x128xf32, #tpu.memory_space<hbm>> -> memref<100000x128xf32, #tpu.memory_space<hbm>>
    tpu.wait_indirect_dma semaphore(%arg12 : memref<!tpu.dma_semaphore, #tpu.memory_space<semaphore_mem>>) src(%dma_wait3A_168 : memref<100000x128xf32, #tpu.memory_space<hbm>>) dst(%arg8 : memref<128x128xf32, #tpu.memory_space<vmem>>)
    %add3A_169 = arith.constant 25344 : i32
    %add3A_170 = arith.addi %mul3A_4, %add3A_169 : i32
    %dma_start3A_171 = arith.constant 0 : i32
    %dma_start3A_172 = tpu.memref_slice %arg4[%add3A_170, %dma_start3A_171] : memref<819200x128xf32, #tpu.memory_space<hbm>> -> memref<128x128xf32, #tpu.memory_space<hbm>>
    %dma_start3A_173 = arith.constant 0 : i32
    %dma_start3A_174 = tpu.memref_slice %arg4[%add3A_170, %dma_start3A_173] : memref<819200x128xf32, #tpu.memory_space<hbm>> -> memref<128x128xf32, #tpu.memory_space<hbm>>
    tpu.enqueue_dma source(%arg8 : memref<128x128xf32, #tpu.memory_space<vmem>>) target(%dma_start3A_174 : memref<128x128xf32, #tpu.memory_space<hbm>>) target_semaphore(%arg16 : memref<!tpu.dma_semaphore, #tpu.memory_space<semaphore_mem>>)
    %dma_wait3A_175 = arith.constant 0 : i32
    %dma_wait3A_176 = tpu.memref_slice %arg4[%mul3A_4, %dma_wait3A_175] : memref<819200x128xf32, #tpu.memory_space<hbm>> -> memref<128x128xf32, #tpu.memory_space<hbm>>
    %dma_wait3A_177 = arith.constant 0 : i32
    %dma_wait3A_178 = tpu.memref_slice %arg4[%mul3A_4, %dma_wait3A_177] : memref<819200x128xf32, #tpu.memory_space<hbm>> -> memref<128x128xf32, #tpu.memory_space<hbm>>
    tpu.wait_dma2 semaphore(%arg15 : memref<!tpu.dma_semaphore, #tpu.memory_space<semaphore_mem>>) src(%arg7 : memref<128x128xf32, #tpu.memory_space<vmem>>) dst(%dma_wait3A_178 : memref<128x128xf32, #tpu.memory_space<hbm>>)
    %dma_wait3A_179 = arith.constant 0 : i32
    %dma_wait3A_180 = arith.constant 0 : i32
    %dma_wait3A_181 = tpu.memref_slice %arg5[%dma_wait3A_179, %dma_wait3A_180] : memref<200x128xi32, #tpu.memory_space<vmem>> -> memref<1x128xi32, #tpu.memory_space<vmem>>
    %dma_wait3A_182 = tpu.memref_squeeze %dma_wait3A_181 : memref<1x128xi32, #tpu.memory_space<vmem>> -> memref<128xi32, #tpu.memory_space<vmem>>
    %dma_wait3A_183 = arith.constant 0 : i32
    %dma_wait3A_184 = arith.constant 0 : i32
    %dma_wait3A_185 = tpu.memref_slice %arg3[%dma_wait3A_183, %dma_wait3A_184] : memref<100000x128xf32, #tpu.memory_space<hbm>> -> memref<100000x128xf32, #tpu.memory_space<hbm>>
    tpu.wait_indirect_dma semaphore(%arg13 : memref<!tpu.dma_semaphore, #tpu.memory_space<semaphore_mem>>) src(%dma_wait3A_185 : memref<100000x128xf32, #tpu.memory_space<hbm>>) dst(%arg9 : memref<128x128xf32, #tpu.memory_space<vmem>>)
    %add3A_186 = arith.constant 25472 : i32
    %add3A_187 = arith.addi %mul3A_4, %add3A_186 : i32
    %dma_start3A_188 = arith.constant 0 : i32
    %dma_start3A_189 = tpu.memref_slice %arg4[%add3A_187, %dma_start3A_188] : memref<819200x128xf32, #tpu.memory_space<hbm>> -> memref<128x128xf32, #tpu.memory_space<hbm>>
    %dma_start3A_190 = arith.constant 0 : i32
    %dma_start3A_191 = tpu.memref_slice %arg4[%add3A_187, %dma_start3A_190] : memref<819200x128xf32, #tpu.memory_space<hbm>> -> memref<128x128xf32, #tpu.memory_space<hbm>>
    tpu.enqueue_dma source(%arg9 : memref<128x128xf32, #tpu.memory_space<vmem>>) target(%dma_start3A_191 : memref<128x128xf32, #tpu.memory_space<hbm>>) target_semaphore(%arg17 : memref<!tpu.dma_semaphore, #tpu.memory_space<semaphore_mem>>)
    %dma_wait3A_192 = arith.constant 0 : i32
    %dma_wait3A_193 = tpu.memref_slice %arg4[%mul3A_4, %dma_wait3A_192] : memref<819200x128xf32, #tpu.memory_space<hbm>> -> memref<128x128xf32, #tpu.memory_space<hbm>>
    %dma_wait3A_194 = arith.constant 0 : i32
    %dma_wait3A_195 = tpu.memref_slice %arg4[%mul3A_4, %dma_wait3A_194] : memref<819200x128xf32, #tpu.memory_space<hbm>> -> memref<128x128xf32, #tpu.memory_space<hbm>>
    tpu.wait_dma2 semaphore(%arg16 : memref<!tpu.dma_semaphore, #tpu.memory_space<semaphore_mem>>) src(%arg8 : memref<128x128xf32, #tpu.memory_space<vmem>>) dst(%dma_wait3A_195 : memref<128x128xf32, #tpu.memory_space<hbm>>)
    %dma_wait3A_196 = arith.constant 0 : i32
    %dma_wait3A_197 = tpu.memref_slice %arg4[%mul3A_4, %dma_wait3A_196] : memref<819200x128xf32, #tpu.memory_space<hbm>> -> memref<128x128xf32, #tpu.memory_space<hbm>>
    %dma_wait3A_198 = arith.constant 0 : i32
    %dma_wait3A_199 = tpu.memref_slice %arg4[%mul3A_4, %dma_wait3A_198] : memref<819200x128xf32, #tpu.memory_space<hbm>> -> memref<128x128xf32, #tpu.memory_space<hbm>>
    tpu.wait_dma2 semaphore(%arg17 : memref<!tpu.dma_semaphore, #tpu.memory_space<semaphore_mem>>) src(%arg9 : memref<128x128xf32, #tpu.memory_space<vmem>>) dst(%dma_wait3A_199 : memref<128x128xf32, #tpu.memory_space<hbm>>)
    return
  }
}

</mosaic_0001>

<sc_bundles>
// kernel: kernel.3.cloned.1.call-start
scs
__scs_entry_jumppad:
0x0: {  	(pc) =	sbr.rel $0x88, $3  }
0x1: {  	(tag) =	ssettag $0x0;
	lr =	simm.s32 $0x1  }
0x2: {  	[smem:$0x3F9F] =	sst lr;
	_ =	strace $0xD0000000  }
0x3: {  	_ = 	snop  }
0x4: {  	_ = 	snop  }
0x5: {  	_ = 	snop  }
0x6: {  	_ = 	snop  }
0x7: {  	_ = 	snop  }
__scs_overlays_trampoline_lowered:
0x8: {  	[smem:$0x3FAE] =	sst s0  }
0x9: {  	[smem:$0x3FAF] =	sst s1  }
0xa: {  	[smem:$0x3FB0] =	sst s2  }
0xb: {  	[smem:$0x3FB1] =	sst s3  }
0xc: {  	[smem:$0x3FB2] =	sst s4  }
0xd: {  	[smem:$0x3FB3] =	sst s5  }
0xe: {  	[smem:$0x3FB4] =	sst s6  }
0xf: {  	[smem:$0x3FB5] =	sst s7  }
0x10: {  	[smem:$0x3FB6] =	sst s8  }
0x11: {  	[smem:$0x3FB7] =	sst s9;
	s0 =	simm.s32 @!p0 $0x0  }
0x12: {  	s1 =	sld [smem:$0x3F9D];
	s0 =	simm.s32 @p0 $0x1  }
0x13: {  	[smem:$0x3FB8] =	sst s0;
	s0 =	simm.s32 @!p1 $0x0  }
0x14: {  	s2 =	sld [smem:$0x3F9C];
	s0 =	simm.s32 @p1 $0x1  }
0x15: {  	[smem:$0x3FB9] =	sst s0;
	s0 =	simm.s32 @!p2 $0x0  }
0x16: {  	s3 =	sld [smem:$0x3FDB];
	s0 =	simm.s32 @p2 $0x1  }
0x17: {  	s4 =	simm.s32 $0x1BF5;
	[smem:$0x3FBB] =	sst s0  }
0x18: {  	s0 =	sld [smem:$0x3F9E];
	_ =	swait.ge [sflag:s4], $0x0  }
0x19: {  	s7 =	sld [smem:$0x3F9F]  }
0x1a: {  	s8 =	sadd.s32 $0xFFFFE003, lr  }
0x1b: {  	s9 =	sadd.s32 $0xFFFFFEF7, lr;
	s5 =	simm.s32 $0xFFFFFFFF;
	p2 =	slt.u32 s8, $0xFFFFF086  }
0x1c: {  	p1 =	slt.u32 s9, $0xF7A;
	s5 =	simm.s32 @!p2 $0x0  }
0x1d: {  	s5 =	simm.s32 @p1 $0x1;
	p0 =	seq.s32 s7, s2  }
0x1e: {  	s7 =	smul.u32 @!p0 $0xF7A, s2;
	p2 =	seq.s32 @!p0 s5, $0x0  }
0x1f: {  	s9 =	smul.u32 $0xF7A, s1;
	s8 =	simm.s32 @!p0 $0x1BF5;
	p2 =	por !p2, p0  }
0x20: {  	[sflag:s8] =	ssyncset.s32 @!p0 $0xFFFFF086;
	s6 =	sadd.s32 @!p0 s3, s7;
	s7 =	simm.s32 @!p0 $0x108  }
0x21: {  	s3 =	sadd.s32 s3, s9;
	s6 =	sadd.s32 @!p0 $0x88, s6;
	s7 =	simm.s32 @p2 $0x1082  }
0x22: {  	[simem:s7], [sflag:s8] =	dma.local @!p0 [hbm:s6], $0xF7A  }
0x23: {  	s9 =	sor.u32 $0xD0000000, s2;
	s6 =	simm.s32 $0x108;
	_ =	swait.ge @!p0 [sflag:s8], $0x0  }
0x24: {  	s3 =	sadd.s32 $0x88, s3;
	s6 =	simm.s32 @!p1 $0x1082;
	[sflag:s4] =	ssyncset.s32 $0xFFFFF086  }
0x25: {  	[simem:s6], [sflag:s4] =	dma.local [hbm:s3], $0xF7A  }
0x26: {  	[smem:$0x3F9F] =	sst s1;
	(tag) =	ssettag s2;
	_ =	strace s9  }
0x27: {  	s1 =	sld [smem:$0x3FAF]  }
0x28: {  	s2 =	sld [smem:$0x3FB0]  }
0x29: {  	s4 =	sld [smem:$0x3FB2]  }
0x2a: {  	p0 =	seq.s32 s5, $0x0;
	s5 =	sld [smem:$0x3FB3]  }
0x2b: {  	s6 =	sld [smem:$0x3FB4]  }
0x2c: {  	s7 =	sld [smem:$0x3FB5]  }
0x2d: {  	s3 =	simm.s32 $0x108;
	s8 =	sld [smem:$0x3FB6]  }
0x2e: {  	s3 =	simm.s32 @!p0 $0x1082;
	s9 =	sld [smem:$0x3FB7]  }
0x2f: {  	lr =	sadd.s32 s0, s3;
	s0 =	sld [smem:$0x3FAE]  }
0x30: {  	s3 =	sld [smem:$0x3FB1]  }
0x31: {  	[smem:$0x3FBA] =	sst s10  }
0x32: {  	s10 =	sld [smem:$0x3FB8];
	_ =	sdelay $0x3  }
0x33: {  	p0 =	seq.s32 s10, $0x1;
	s10 =	sld [smem:$0x3FBA];
	_ =	sdelay $0x3  }
0x34: {  	[smem:$0x3FBA] =	sst s10  }
0x35: {  	s10 =	sld [smem:$0x3FB9];
	_ =	sdelay $0x3  }
0x36: {  	p1 =	seq.s32 s10, $0x1;
	s10 =	sld [smem:$0x3FBA];
	_ =	sdelay $0x3  }
0x37: {  	[smem:$0x3FBA] =	sst s10  }
0x38: {  	s10 =	sld [smem:$0x3FBB]  }
0x39: {  	_ = 	snop;
	(pc) =	sbr.ind lr, $3  }
0x3a: {  	_ = 	snop  }
0x3b: {  	_ = 	snop  }
0x3c: {  	p2 =	seq.s32 s10, $0x1;
	s10 =	sld [smem:$0x3FBA]  }
0x3d: {  	_ =	shalt  }
0x3e: {  	_ =	shalt  }
0x3f: {  	_ =	shalt  }
0x40: {  	_ =	shalt  }
0x41: {  	_ =	shalt  }
0x42: {  	_ =	shalt  }
0x43: {  	_ =	shalt  }
0x44: {  	_ =	shalt  }
0x45: {  	_ =	shalt  }
0x46: {  	_ =	shalt  }
0x47: {  	_ =	shalt  }
0x48: {  	_ =	shalt  }
0x49: {  	_ =	shalt  }
0x4a: {  	_ =	shalt  }
0x4b: {  	_ =	shalt  }
0x4c: {  	_ =	shalt  }
0x4d: {  	_ =	shalt  }
0x4e: {  	_ =	shalt  }
0x4f: {  	_ =	shalt  }
0x50: {  	_ =	shalt  }
0x51: {  	_ =	shalt  }
0x52: {  	_ =	shalt  }
0x53: {  	_ =	shalt  }
0x54: {  	_ =	shalt  }
0x55: {  	_ =	shalt  }
0x56: {  	_ =	shalt  }
0x57: {  	_ =	shalt  }
0x58: {  	_ =	shalt  }
0x59: {  	_ =	shalt  }
0x5a: {  	_ =	shalt  }
0x5b: {  	_ =	shalt  }
0x5c: {  	_ =	shalt  }
0x5d: {  	_ =	shalt  }
0x5e: {  	_ =	shalt  }
0x5f: {  	_ =	shalt  }
0x60: {  	_ =	shalt  }
0x61: {  	_ =	shalt  }
0x62: {  	_ =	shalt  }
0x63: {  	_ =	shalt  }
0x64: {  	_ =	shalt  }
0x65: {  	_ =	shalt  }
0x66: {  	_ =	shalt  }
0x67: {  	_ =	shalt  }
0x68: {  	_ =	shalt  }
0x69: {  	_ =	shalt  }
0x6a: {  	_ =	shalt  }
0x6b: {  	_ =	shalt  }
0x6c: {  	_ =	shalt  }
0x6d: {  	_ =	shalt  }
0x6e: {  	_ =	shalt  }
0x6f: {  	_ =	shalt  }
0x70: {  	_ =	shalt  }
0x71: {  	_ =	shalt  }
0x72: {  	_ =	shalt  }
0x73: {  	_ =	shalt  }
0x74: {  	_ =	shalt  }
0x75: {  	_ =	shalt  }
0x76: {  	_ =	shalt  }
0x77: {  	_ =	shalt  }
0x78: {  	_ =	shalt  }
0x79: {  	_ =	shalt  }
0x7a: {  	_ =	shalt  }
0x7b: {  	_ =	shalt  }
0x7c: {  	_ =	shalt  }
0x7d: {  	_ =	shalt  }
0x7e: {  	_ =	shalt  }
0x7f: {  	_ =	shalt  }
0x80: {  	_ =	shalt  }
0x81: {  	_ =	shalt  }
0x82: {  	_ =	shalt  }
0x83: {  	_ =	shalt  }
0x84: {  	_ =	shalt  }
0x85: {  	_ =	shalt  }
0x86: {  	_ =	shalt  }
0x87: {  	_ =	shalt  }
.Lfunc_end0:
.L_simem_size_0:
called_computation_lowered:
.L_overlay_start_0:
0x88: {  	s2 =	sld [smem:$0x3FD9]  }
0x89: {  	s3 =	sld [smem:$0x3FFE];
	_ =	sdelay $0x1  }
0x8a: {  	s1 =	srdreg.scid  }
0x8b: {  	s0 =	sand.u32 $0x1, s1  }
0x8c: {  	s17 =	sshll.u32 s0, $0xA;
	s2 =	sadd.s32 s3, s2  }
0x8d: {  	s2 =	sadd.s32 s2, s17  }
0x8e: {  	[smem:$0x3FC6] =	sst s2  }
0x8f: {  	_ = 	snop  }
0x90: {  	s2 =	sld [smem:$0x3FC8]  }
0x91: {  	s18 =	sld [smem:$0x3FD0];
	(tm) =	ssettm $0x1  }
0x92: {  	s4 =	sld [smem:$0x3FFB];
	_ =	sdelay $0x3  }
0x93: {  	_ =	strace s4  }
0x94: {  	s4 =	sld [smem:$0x3FFC];
	_ =	sdelay $0x3  }
0x95: {  	_ =	strace s4  }
0x96: {  	s4 =	sld [smem:$0x3FFD];
	_ =	sdelay $0x3  }
0x97: {  	_ =	strace s4  }
0x98: {  	_ =	strace $0x8FFFFFFF  }
0x99: {  	s19 =	sld [smem:$0x3FDB];
	_ =	sdelay $0x1  }
0x9a: {  	s5 =	simm.s32 $_scs_section_size  }
0x9b: {  	s6 =	simm.s32 $_size__tile_overlayer_lowered;
	s7 =	simm.s32 $_tile_overlayer_lowered  }
0x9c: {  	s22 =	simm.s32 $0x1BFF;
	s21 =	sshll.u32 s7, $0x1;
	s4 =	sadd.s32 s5, s19  }
0x9d: {  	s8 =	simm.s32 $0x0;
	s20 =	sshll.u32 s6, $0x1;
	s6 =	sadd.s32 s21, s4  }
0x9e: {  	[timem:s8], [sflag:s22] =	dma.local [hbm:s6], s20  }
0x9f: {  	_ =	swait.ge [sflag:s22], s20  }
0xa0: {  	s5 =	ssub.s32 $0x0, s20;
	[sflag:s22] =	ssyncset.done $0x0  }
0xa1: {  	[sflag:s22] =	ssyncadd.s32 s5;
	_ =	sdelay $0x1  }
0xa2: {  	s23 =	simm.s32 $0x1B8B  }
0xa3: {  	_ =	swait.ge [sflag:s23], $0x1  }
0xa4: {  	[sflag:s23] =	ssyncset.done $0x0  }
0xa5: {  	s25 =	simm.s32 $0x1B8E;
	s24 =	sld [smem:$0x3FFE];
	[sflag:s23] =	ssyncadd.s32 $0xFFFFFFFF  }
0xa6: {  	s26 =	simm.s32 $execute0_lowered;
	[smem:$0x3FD2] =	sst s25  }
0xa7: {  	s6 =	sshll.u32 s26, $0x1;
	_ =	strace $0x80000046;
	[dreg:$0x1] =	wrdreg $0xFFFFFFFF  }
0xa8: {  	s28 =	simm.s32 $_size_execute0_lowered;
	s4 =	sadd.s32 s4, s6;
	[dreg:$0x0] =	wrdreg $0x0  }
0xa9: {  	s6 =	sshll.u32 s28, $0x1;
	[dreg:$0x2] =	wrdreg s4  }
0xaa: {  	[dreg:$0x3] =	wrdreg s6  }
0xab: {  	[dreg:$0x4] =	wrdreg $0xC0  }
0xac: {  	_ =	task [dreg:s8], $0x5FFFF  }
0xad: {  	[dreg:$0x1] =	wrdreg $0xFFFFFFFF  }
0xae: {  	[dreg:$0x0] =	wrdreg $0x60  }
0xaf: {  	[dreg:$0x2] =	wrdreg s24  }
0xb0: {  	[dreg:$0x3] =	wrdreg s2  }
0xb1: {  	[dreg:$0x4] =	wrdreg s18  }
0xb2: {  	[dreg:$0x5] =	wrdreg $0x9  }
0xb3: {  	_ =	task.clear_ibuf [dreg:s8], $0x6FFFF;
	_ =	strace $0x90000046  }
0xb4: {  	s29 =	simm.s32 $0x9;
	_ =	strace $0x80000048  }
0xb5: {  	_ =	swait.ge [sflag:s29], $0x1  }
0xb6: {  	[sflag:s29] =	ssyncadd.s32 $0xFFFFFFFF  }
0xb7: {  	_ =	strace $0x90000048  }
0xb8: {  	_ =	sfence  }
0xb9: {  	s30 =	sld [smem:$0x0];
	_ =	sdelay $0x2  }
0xba: {  	s31 =	sshll.u32 s1, $0xD;
	s1 =	sshrl.u32 s1, $0x2  }
0xbb: {  	s3 =	sand.u32 $0x4000, s31;
	s1 =	sadd.s32 s1, s30  }
0xbc: {  	s0 =	sor.u32 s3, s0;
	s1 =	sshll.u32 s1, $0x11  }
0xbd: {  	s0 =	sor.u32 s1, s0  }
0xbe: {  	s0 =	sadd.s32 $0x8F2B, s0  }
0xbf: {  	[sflag:s0] =	ssyncadd.remote.s32 $0x1  }
0xc0: {  	_ =	sfence.sel $0xFFFF  }
0xc1: {  	[dreg:$0x0] =	wrdreg $0xFFFFFFFF;
	(pc) =	sbr.abs _section_cstart, $3  }
0xc2: {  	[dreg:$0x1] =	wrdreg $0xFFFFFFFF  }
0xc3: {  	_ =	task.clear_ibuf [dreg:s8], $0x2FFFF;
	_ =	strace $0x9FFFFFFF  }
0xc4: {  	(tm) =	ssettm $0x7FFFFFFF  }
0xc5: {  	_ =	shalt  }
tec
execute0_lowered:
.L_overlay_start_1:
0x0: {  	(tag) =	ssettag $0x1  }
0x1: {  	s0 =	rddreg [dreg:$0x0]  }
0x2: {  	s1 =	srdreg.scid;
	s2 =	rddreg [dreg:$0x1]  }
0x3: {  	s14 =	stileid.u32;
	s4 =	rddreg [dreg:$0x2];
	s16 =	simm.s32 $0x9  }
0x4: {  	s17 =	simm.s32 $0x80;
	s18 =	simm.s32 $0x6400;
	s19 =	simm.s32 $0xA400  }
0x5: {  	s21 =	simm.s32 $0xE400;
	s22 =	simm.s32 $0x1;
	s11 =	smul.u32 $0x640000, s14  }
0x6: {  	s1 =	sand.u32 $0x1, s1;
	s3 =	sshll.u32 s14, $0x1;
	s14 =	smul.u32 $0xC8000, s14  }
0x7: {  	s29 =	simm.s32 $0x3;
	s30 =	simm.s32 $0x6;
	s12 =	smul.u32 $0x320000, s1  }
0x8: {  	s5 =	sor.u32 s1, s3;
	s7 =	ssub.s32 $0x2, s1;
	s1 =	smul.u32 $0x64000, s1  }
0x9: {  	s20 =	simm.s32 $0x8;
	s3 =	simm.s32 $0x0;
	s6 =	smul.u32 $0xC80, s5  }
0xa: {  	s31 =	simm.s32 $0x0;
	[smem:$0x7FF] =	sst s3;
	s8 =	smul.u32 $0x64000, s5  }
0xb: {  	s23 =	sshrl.u32 s7, $0x1;
	s9 =	smul.u32 $0x320000, s5;
	s28 =	sadd.s32 s14, s4  }
0xc: {  	_ =	strace $0x80000047;
	s13 =	ssub.s32 s7, s23;
	s12 =	sadd.s32 s12, s11  }
0xd: {  	s0 =	sadd.s32 s6, s0;
	s5 =	sadd.s32 s4, s8;
	s24 =	sshrl.u32 s9, $0x3  }
0xe: {  	s15 =	sor.u32 $0x10000, s12;
	s13 =	smax.u32 s13, $0x1;
	s0 =	sadd.s32 $0x400, s0  }
0xf: {  	s25 =	sadd.s32 $0x800, s5;
	s7 =	sadd.s32 $0x1000, s5;
	s8 =	sadd.s32 $0x1800, s5  }
0x10: {  	s26 =	sshrl.u32 s15, $0x3;
	s15 =	sadd.s32 s1, s28;
	[dreg:$0x4] =	wrdreg s0  }
0x11: {  	s1 =	simm.s32 $0x4;
	[dreg:$0x5] =	wrdreg s25;
	s0 =	sadd.s32 s4, s24  }
0x12: {  	s14 =	sadd.s32 s26, s4;
	s24 =	simm.s32 $0x12400;
	s25 =	simm.s32 $0x2  }
0x13: {  	s26 =	simm.s32 $0x5;
	s9 =	sadd.s32 $0x62000, s0;
	s10 =	sadd.s32 $0x62800, s0  }
0x14: {  	s11 =	sadd.s32 $0x63000, s0;
	s12 =	sadd.s32 $0x63800, s0;
	s0 =	simm.s32 $0x7  }
.LBB2_1:
0x15: {  	s4 =	rddreg [dreg:$0x4]  }
0x16: {  	[tilespmem:s3], [sflag:$0x9] =	stream.linear.gather [hbm4b:s4+s3], $0x6400, $0x38;
	[tilespmem:$0x16400] =	vst v63  }
0x17: {  	_ =	swait.ge [sflag:s16], $0x6400  }
0x18: {  	[sflag:s16] =	ssyncset.done $0x0  }
0x19: {  	[sflag:s16] =	ssyncadd.s32 $0xFFFF9C00  }
0x1a: {  	[tilespmem:s18], [sflag:$0x1] =	stream.indirect.gather [hbm4b:s2+s17], $0x80, s3, s17, $0xb8;
	[tilespmem:$0x16400] =	vst v63  }
0x1b: {  	_ = 	snop  }
0x1c: {  	[tilespmem:s19], [sflag:$0x2] =	stream.indirect.gather [hbm4b:s2+s17], $0x80, s17, s17, $0xb8;
	[tilespmem:$0x16400] =	vst v63  }
0x1d: {  	s6 =	simm.s32 $0x100  }
0x1e: {  	[tilespmem:s21], [sflag:$0x3] =	stream.indirect.gather [hbm4b:s2+s17], $0x80, s6, s17, $0xb8;
	[tilespmem:$0x16400] =	vst v63  }
0x1f: {  	_ =	swait.ge [sflag:s22], $0x4000  }
0x20: {  	[sflag:s22] =	ssyncset.done $0x0  }
0x21: {  	[sflag:s22] =	ssyncadd.s32 $0xFFFFC000  }
0x22: {  	[hbm4b:s5+s3] =	stream.linear.scatter [tilespmem:s18], [sflag:$0x5], $0x4000, $0x38;
	[tilespmem:$0x16400] =	vst v63  }
0x23: {  	s23 =	simm.s32 $0x180  }
0x24: {  	[tilespmem:s24], [sflag:$0x4] =	stream.indirect.gather [hbm4b:s2+s17], $0x80, s23, s17, $0xb8;
	[tilespmem:$0x16400] =	vst v63  }
0x25: {  	_ =	swait.ge [sflag:s25], $0x4000  }
0x26: {  	[sflag:s25] =	ssyncset.done $0x0  }
0x27: {  	s6 =	rddreg [dreg:$0x5];
	[sflag:s25] =	ssyncadd.s32 $0xFFFFC000  }
0x28: {  	[hbm4b:s6+s3] =	stream.linear.scatter [tilespmem:s19], [sflag:$0x6], $0x4000, $0x38;
	[tilespmem:$0x16400] =	vst v63  }
0x29: {  	_ =	swait.ge [sflag:s26], $0x4000  }
0x2a: {  	[sflag:s26] =	ssyncset.done $0x0  }
0x2b: {  	s23 =	simm.s32 $0x200;
	[sflag:s26] =	ssyncadd.s32 $0xFFFFC000  }
0x2c: {  	[tilespmem:s18], [sflag:$0x1] =	stream.indirect.gather [hbm4b:s2+s17], $0x80, s23, s17, $0xb8;
	[tilespmem:$0x16400] =	vst v63  }
0x2d: {  	_ =	swait.ge [sflag:s29], $0x4000  }
0x2e: {  	[sflag:s29] =	ssyncset.done $0x0  }
0x2f: {  	[sflag:s29] =	ssyncadd.s32 $0xFFFFC000  }
0x30: {  	[hbm4b:s7+s3] =	stream.linear.scatter [tilespmem:s21], [sflag:$0x7], $0x4000, $0x38;
	[tilespmem:$0x16400] =	vst v63  }
0x31: {  	_ =	swait.ge [sflag:s30], $0x4000  }
0x32: {  	[sflag:s30] =	ssyncset.done $0x0  }
0x33: {  	s6 =	simm.s32 $0x280;
	[sflag:s30] =	ssyncadd.s32 $0xFFFFC000  }
0x34: {  	[tilespmem:s19], [sflag:$0x2] =	stream.indirect.gather [hbm4b:s2+s17], $0x80, s6, s17, $0xb8;
	[tilespmem:$0x16400] =	vst v63  }
0x35: {  	_ =	swait.ge [sflag:s1], $0x4000  }
0x36: {  	[sflag:s1] =	ssyncset.done $0x0  }
0x37: {  	[sflag:s1] =	ssyncadd.s32 $0xFFFFC000  }
0x38: {  	[hbm4b:s8+s3] =	stream.linear.scatter [tilespmem:s24], [sflag:$0x8], $0x4000, $0x38;
	[tilespmem:$0x16400] =	vst v63  }
0x39: {  	_ =	swait.ge [sflag:s0], $0x4000  }
0x3a: {  	[sflag:s0] =	ssyncset.done $0x0  }
0x3b: {  	s23 =	simm.s32 $0x300;
	[sflag:s0] =	ssyncadd.s32 $0xFFFFC000  }
0x3c: {  	[tilespmem:s21], [sflag:$0x3] =	stream.indirect.gather [hbm4b:s2+s17], $0x80, s23, s17, $0xb8;
	[tilespmem:$0x16400] =	vst v63  }
0x3d: {  	_ =	swait.ge [sflag:s22], $0x4000  }
0x3e: {  	[sflag:s22] =	ssyncset.done $0x0  }
0x3f: {  	s6 =	sadd.s32 $0x0, s14;
	[sflag:s22] =	ssyncadd.s32 $0xFFFFC000  }
0x40: {  	[hbm4b:s6+s3] =	stream.linear.scatter [tilespmem:s18], [sflag:$0x5], $0x4000, $0x38;
	[tilespmem:$0x16400] =	vst v63  }
0x41: {  	_ =	swait.ge [sflag:s20], $0x4000  }
0x42: {  	[sflag:s20] =	ssyncset.done $0x0  }
0x43: {  	s23 =	simm.s32 $0x380;
	[sflag:s20] =	ssyncadd.s32 $0xFFFFC000  }
0x44: {  	[tilespmem:s24], [sflag:$0x4] =	stream.indirect.gather [hbm4b:s2+s17], $0x80, s23, s17, $0xb8;
	[tilespmem:$0x16400] =	vst v63  }
0x45: {  	_ =	swait.ge [sflag:s25], $0x4000  }
0x46: {  	s4 =	sadd.s32 $0x0, s15;
	[sflag:s25] =	ssyncset.done $0x0  }
0x47: {  	s23 =	sadd.s32 $0x2800, s4;
	[sflag:s25] =	ssyncadd.s32 $0xFFFFC000  }
0x48: {  	[hbm4b:s23+s3] =	stream.linear.scatter [tilespmem:s19], [sflag:$0x6], $0x4000, $0x38;
	[tilespmem:$0x16400] =	vst v63  }
0x49: {  	_ =	swait.ge [sflag:s26], $0x4000  }
0x4a: {  	[sflag:s26] =	ssyncset.done $0x0  }
0x4b: {  	s6 =	simm.s32 $0x400;
	[sflag:s26] =	ssyncadd.s32 $0xFFFFC000  }
0x4c: {  	[tilespmem:s18], [sflag:$0x1] =	stream.indirect.gather [hbm4b:s2+s17], $0x80, s6, s17, $0xb8;
	[tilespmem:$0x16400] =	vst v63  }
0x4d: {  	_ =	swait.ge [sflag:s29], $0x4000  }
0x4e: {  	[sflag:s29] =	ssyncset.done $0x0  }
0x4f: {  	s6 =	sadd.s32 $0x3000, s4;
	[sflag:s29] =	ssyncadd.s32 $0xFFFFC000  }
0x50: {  	[hbm4b:s6+s3] =	stream.linear.scatter [tilespmem:s21], [sflag:$0x7], $0x4000, $0x38;
	[tilespmem:$0x16400] =	vst v63  }
0x51: {  	_ =	swait.ge [sflag:s30], $0x4000  }
0x52: {  	[sflag:s30] =	ssyncset.done $0x0  }
0x53: {  	s6 =	simm.s32 $0x480;
	[sflag:s30] =	ssyncadd.s32 $0xFFFFC000  }
0x54: {  	[tilespmem:s19], [sflag:$0x2] =	stream.indirect.gather [hbm4b:s2+s17], $0x80, s6, s17, $0xb8;
	[tilespmem:$0x16400] =	vst v63  }
0x55: {  	_ =	swait.ge [sflag:s1], $0x4000  }
0x56: {  	s28 =	simm.s32 $0x680;
	[sflag:s1] =	ssyncset.done $0x0  }
0x57: {  	s23 =	simm.s32 $0x2000;
	s4 =	sadd.s32 $0x3800, s4;
	[sflag:s1] =	ssyncadd.s32 $0xFFFFC000  }
.LBB2_2:
0x58: {  	[hbm4b:s4+s3] =	stream.linear.scatter [tilespmem:s24], [sflag:$0x8], $0x4000, $0x38;
	[tilespmem:$0x16400] =	vst v63  }
0x59: {  	s4 =	smov.u32 s23  }
0x5a: {  	p0 =	sne.s32 s23, $0x5E000;
	s23 =	sadd.s32 $0x2000, s23;
	_ =	swait.ge [sflag:s0], $0x4000  }
0x5b: {  	[sflag:s0] =	ssyncset.done $0x0  }
0x5c: {  	s6 =	sadd.s32 $0xFFFFFE80, s28;
	[sflag:s0] =	ssyncadd.s32 $0xFFFFC000  }
0x5d: {  	[tilespmem:s21], [sflag:$0x3] =	stream.indirect.gather [hbm4b:s2+s17], $0x80, s6, s17, $0xb8;
	[tilespmem:$0x16400] =	vst v63  }
0x5e: {  	_ =	swait.ge [sflag:s22], $0x4000  }
0x5f: {  	[sflag:s22] =	ssyncset.done $0x0  }
0x60: {  	s6 =	sadd.s32 s4, s14;
	[sflag:s22] =	ssyncadd.s32 $0xFFFFC000  }
0x61: {  	[hbm4b:s6+s3] =	stream.linear.scatter [tilespmem:s18], [sflag:$0x5], $0x4000, $0x38;
	[tilespmem:$0x16400] =	vst v63  }
0x62: {  	_ =	swait.ge [sflag:s20], $0x4000  }
0x63: {  	[sflag:s20] =	ssyncset.done $0x0  }
0x64: {  	s6 =	sadd.s32 $0xFFFFFF00, s28;
	[sflag:s20] =	ssyncadd.s32 $0xFFFFC000  }
0x65: {  	[tilespmem:s24], [sflag:$0x4] =	stream.indirect.gather [hbm4b:s2+s17], $0x80, s6, s17, $0xb8;
	[tilespmem:$0x16400] =	vst v63  }
0x66: {  	_ =	swait.ge [sflag:s25], $0x4000  }
0x67: {  	s4 =	sadd.s32 s4, s15;
	[sflag:s25] =	ssyncset.done $0x0  }
0x68: {  	s6 =	sadd.s32 $0x2800, s4;
	[sflag:s25] =	ssyncadd.s32 $0xFFFFC000  }
0x69: {  	[hbm4b:s6+s3] =	stream.linear.scatter [tilespmem:s19], [sflag:$0x6], $0x4000, $0x38;
	[tilespmem:$0x16400] =	vst v63  }
0x6a: {  	_ =	swait.ge [sflag:s26], $0x4000  }
0x6b: {  	[sflag:s26] =	ssyncset.done $0x0  }
0x6c: {  	s6 =	sadd.s32 $0xFFFFFF80, s28;
	[sflag:s26] =	ssyncadd.s32 $0xFFFFC000  }
0x6d: {  	[tilespmem:s18], [sflag:$0x1] =	stream.indirect.gather [hbm4b:s2+s17], $0x80, s6, s17, $0xb8;
	[tilespmem:$0x16400] =	vst v63  }
0x6e: {  	_ =	swait.ge [sflag:s29], $0x4000  }
0x6f: {  	[sflag:s29] =	ssyncset.done $0x0  }
0x70: {  	s6 =	sadd.s32 $0x3000, s4;
	[sflag:s29] =	ssyncadd.s32 $0xFFFFC000  }
0x71: {  	[hbm4b:s6+s3] =	stream.linear.scatter [tilespmem:s21], [sflag:$0x7], $0x4000, $0x38;
	[tilespmem:$0x16400] =	vst v63  }
0x72: {  	_ =	swait.ge [sflag:s30], $0x4000  }
0x73: {  	[sflag:s30] =	ssyncset.done $0x0  }
.Ltmp0:
0x74: {  	[sflag:s30] =	ssyncadd.s32 $0xFFFFC000;
	(pc) =	sbr.rel @p0 .LBB2_2-.Ltmp0, $4  }
0x75: {  	[tilespmem:s19], [sflag:$0x2] =	stream.indirect.gather [hbm4b:s2+s17], $0x80, s28, s17, $0xb8;
	[tilespmem:$0x16400] =	vst v63  }
0x76: {  	_ =	swait.ge [sflag:s1], $0x4000  }
0x77: {  	[sflag:s1] =	ssyncset.done $0x0  }
0x78: {  	s4 =	sadd.s32 $0x3800, s4;
	s28 =	sadd.s32 $0x200, s28;
	[sflag:s1] =	ssyncadd.s32 $0xFFFFC000  }
0x79: {  	[hbm4b:s4+s3] =	stream.linear.scatter [tilespmem:s24], [sflag:$0x8], $0x4000, $0x38;
	[tilespmem:$0x16400] =	vst v63  }
0x7a: {  	_ =	swait.ge [sflag:s0], $0x4000  }
0x7b: {  	[sflag:s0] =	ssyncset.done $0x0  }
0x7c: {  	s23 =	simm.s32 $0x6300;
	[sflag:s0] =	ssyncadd.s32 $0xFFFFC000  }
0x7d: {  	[tilespmem:s21], [sflag:$0x3] =	stream.indirect.gather [hbm4b:s2+s17], $0x80, s23, s17, $0xb8;
	[tilespmem:$0x16400] =	vst v63  }
0x7e: {  	_ =	swait.ge [sflag:s22], $0x4000  }
0x7f: {  	[sflag:s22] =	ssyncset.done $0x0  }
0x80: {  	[sflag:s22] =	ssyncadd.s32 $0xFFFFC000  }
0x81: {  	[hbm4b:s9+s3] =	stream.linear.scatter [tilespmem:s18], [sflag:$0x5], $0x4000, $0x38;
	[tilespmem:$0x16400] =	vst v63  }
0x82: {  	_ =	swait.ge [sflag:s20], $0x4000  }
0x83: {  	[sflag:s20] =	ssyncset.done $0x0  }
0x84: {  	s28 =	simm.s32 $0x6380;
	[sflag:s20] =	ssyncadd.s32 $0xFFFFC000  }
0x85: {  	[tilespmem:s24], [sflag:$0x4] =	stream.indirect.gather [hbm4b:s2+s17], $0x80, s28, s17, $0xb8;
	[tilespmem:$0x16400] =	vst v63  }
0x86: {  	_ =	swait.ge [sflag:s25], $0x4000  }
0x87: {  	[sflag:s25] =	ssyncset.done $0x0  }
0x88: {  	[sflag:s25] =	ssyncadd.s32 $0xFFFFC000  }
0x89: {  	[hbm4b:s10+s3] =	stream.linear.scatter [tilespmem:s19], [sflag:$0x6], $0x4000, $0x38;
	[tilespmem:$0x16400] =	vst v63  }
0x8a: {  	_ =	swait.ge [sflag:s26], $0x4000  }
0x8b: {  	[sflag:s26] =	ssyncset.done $0x0  }
0x8c: {  	[sflag:s26] =	ssyncadd.s32 $0xFFFFC000  }
0x8d: {  	_ =	swait.ge [sflag:s29], $0x4000  }
0x8e: {  	[sflag:s29] =	ssyncset.done $0x0  }
0x8f: {  	[sflag:s29] =	ssyncadd.s32 $0xFFFFC000  }
0x90: {  	[hbm4b:s11+s3] =	stream.linear.scatter [tilespmem:s21], [sflag:$0x7], $0x4000, $0x38;
	[tilespmem:$0x16400] =	vst v63  }
0x91: {  	_ =	swait.ge [sflag:s30], $0x4000  }
0x92: {  	[sflag:s30] =	ssyncset.done $0x0  }
0x93: {  	[sflag:s30] =	ssyncadd.s32 $0xFFFFC000  }
0x94: {  	_ =	swait.ge [sflag:s1], $0x4000  }
0x95: {  	[sflag:s1] =	ssyncset.done $0x0  }
0x96: {  	s31 =	sadd.s32 $0x1, s31;
	[sflag:s1] =	ssyncadd.s32 $0xFFFFC000  }
0x97: {  	[hbm4b:s12+s3] =	stream.linear.scatter [tilespmem:s24], [sflag:$0x8], $0x4000, $0x38;
	[tilespmem:$0x16400] =	vst v63  }
0x98: {  	p0 =	sne.s32 s31, s13;
	_ =	swait.ge [sflag:s0], $0x4000  }
.Ltmp1:
0x99: {  	[sflag:s0] =	ssyncset.done $0x0;
	(pc) =	sbr.rel @p0 .LBB2_1-.Ltmp1, $4  }
0x9a: {  	[sflag:s0] =	ssyncadd.s32 $0xFFFFC000  }
0x9b: {  	_ =	swait.ge [sflag:s20], $0x4000  }
0x9c: {  	[sflag:s20] =	ssyncset.done $0x0  }
0x9d: {  	[sflag:s20] =	ssyncadd.s32 $0xFFFFC000  }
0x9e: {  	_ =	sfence.sel $0x180000  }
0x9f: {  	[bflag:$0x0] =	sbarrier.arrive $0xFFFF  }
0xa0: {  	_ =	strace $0x90000047  }
0xa1: {  	s0 =	stileid.u32;
	[bflag:$0x2] =	sbarrier.arrive $0xFFFF  }
0xa2: {  	p0 =	sne.s32 s0, $0x0;
	s0 =	rddreg [dreg:$0x3]  }
0xa3: {  	s0 =	sadd.s32 @!p0 $0x100000, s0  }
0xa4: {  	[sflag:s0] =	ssyncadd.tile.s32 @!p0 $0x1;
	_ =	shalt  }
.Lfunc_end2:
_tile_overlayer_lowered:
.L_overlay_start_2:
0xa5: {  	(tag) =	ssettag $0x2  }
0xa6: {  	s0 =	rddreg [dreg:$0x0];
	s2 =	stileid.u32  }
0xa7: {  	s1 =	rddreg [dreg:$0x1];
	p0 =	sne.s32 s2, $0x0  }
0xa8: {  	s3 =	rddreg [dreg:$0x2];
	[bflag:$0x3] =	sbarrier.arrive $0xFFFF;
	s2 =	simm.s32 @!p0 $0x1C09  }
0xa9: {  	[timem:s3], [sflag:s2] =	dma.local @!p0 [hbm:s0], s1  }
0xaa: {  	s0 =	simm.s32 @!p0 $0x9  }
0xab: {  	_ =	swait.ge @!p0 [sflag:s0], s1  }
0xac: {  	s1 =	ssub.s32 @!p0 $0x0, s1;
	[sflag:s0] =	ssyncset.done @!p0 $0x0  }
0xad: {  	[sflag:s0] =	ssyncadd.s32 @!p0 s1  }
0xae: {  	[bflag:$0x3] =	sbarrier.arrive $0xFFFF  }
0xaf: {  	_ =	shalt  }

</sc_bundles>
